<compile_context>
chip_gen: v7x
topology: tpu7x:2x2x1
jax: 0.10.2.dev20260603
libtpu: 0.0.44.dev20260713+nightly
codegen_flags: <defaults>
</compile_context>

<pallas_src>
import functools

import jax
import jax.numpy as jnp
from jax import lax
from jax.experimental import pallas as pl
from jax.experimental.pallas import tpu as pltpu
from jax.experimental.pallas import tpu_sc as plsc

L = 16
NCTX = 64
E = 2

_LOG2_C = (
    -3.0283249744104577,
    6.065858861121359,
    -5.264155524116715,
    3.218869813800031,
    -1.234279899429953,
    0.26686276780638246,
    -0.024825984442692788,
)
_LN2 = 0.6931471805599453


def _log_f32(z):
    bi = plsc.bitcast(z, jnp.int32)
    ex = lax.shift_right_logical(bi, 23) - 127
    mant = plsc.bitcast(
        lax.bitwise_or(lax.bitwise_and(bi, 0x7FFFFF), 0x3F800000), jnp.float32
    )
    p = jnp.float32(_LOG2_C[6])
    for c in _LOG2_C[5::-1]:
        p = p * mant + jnp.float32(c)
    return (ex.astype(jnp.float32) + p) * jnp.float32(_LN2)


def _make_sc_call(batch, embed, n_pos, n_neg):
    info = plsc.get_sparse_core_info()
    nc, ns = info.num_cores, info.num_subcores
    nw = nc * ns
    epw = batch // nw
    nchunk = epw // E
    n_valid = 1 + n_pos + n_neg

    mesh = plsc.VectorSubcoreMesh(core_axis_name="c", subcore_axis_name="s")

    @functools.partial(
        pl.kernel,
        out_type=jax.ShapeDtypeStruct((batch,), jnp.float32),
        mesh=mesh,
        compiler_params=pltpu.CompilerParams(
            needs_layout_passes=False, use_tc_tiling_on_sc=False
        ),
        scratch_types=[
            pltpu.VMEM((epw * NCTX,), jnp.int32),
            pltpu.VMEM((E * NCTX, embed), jnp.float32),
            pltpu.VMEM((embed,), jnp.float32),
            pltpu.VMEM((epw,), jnp.float32),
            pltpu.SemaphoreType.DMA,
        ],
    )
    def sc_call(table, idxs, out, idx_v, buf, sig_v, out_v, sem):
        iota = lax.iota(jnp.int32, L)
        one = jnp.ones((L,), jnp.float32)
        signs, masks = [], []
        for g in range(4):
            cols = iota + (1 + L * g)
            signs.append(jnp.where(cols <= n_pos, one, -one))
            masks.append(jnp.where(cols < n_valid, one, 0.0 * one))

        wid = lax.axis_index("s") * nc + lax.axis_index("c")
        ibase = wid * (epw * NCTX)
        pltpu.sync_copy(idxs.at[pl.ds(ibase, epw * NCTX)], idx_v)

        def chunk_body(c, carry):
            pltpu.async_copy(
                table.at[idx_v.at[pl.ds(c * (E * NCTX), E * NCTX)]], buf, sem
            ).wait()
            for e in range(E):
                roff = e * NCTX
                for q in range(4):
                    x = buf[roff, pl.ds(L * q, L)]
                    sig_v[pl.ds(L * q, L)] = 1.0 / (1.0 + jnp.exp(-x))
                rows = [
                    jnp.minimum(iota + (roff + 1 + L * g), E * NCTX - 1)
                    for g in range(4)
                ]

                def dbody(j, accs):
                    a0, a1, a2, a3 = accs
                    for k in range(4):
                        d = 4 * j + k
                        col = jnp.full((L,), d, jnp.int32)
                        s = plsc.load_gather(sig_v, [col])
                        a0 = a0 + plsc.load_gather(buf, [rows[0], col]) * s
                        a1 = a1 + plsc.load_gather(buf, [rows[1], col]) * s
                        a2 = a2 + plsc.load_gather(buf, [rows[2], col]) * s
                        a3 = a3 + plsc.load_gather(buf, [rows[3], col]) * s
                    return a0, a1, a2, a3

                zero = jnp.zeros((L,), jnp.float32)
                accs = lax.fori_loop(0, embed // 4, dbody,
                                     (zero, zero, zero, zero))
                total = zero
                for g in range(4):
                    t = accs[g] * signs[g]
                    t = jnp.minimum(jnp.maximum(t, -10.0), 10.0)
                    z = 1.0 + jnp.exp(-t)
                    total = total + _log_f32(z) * masks[g]
                cs = plsc.cumsum(total)
                plsc.store_scatter(
                    out_v,
                    [jnp.full((L,), c * E + e, jnp.int32)],
                    cs,
                    mask=iota == L - 1,
                )
            return carry

        lax.fori_loop(0, nchunk, chunk_body, 0)
        pltpu.sync_copy(out_v, out.at[pl.ds(wid * epw, epw)])

    return sc_call


def kernel(input_labels, pos_labels, neg_labels, out_embed_weight):
    batch = input_labels.shape[0]
    n_pos = pos_labels.shape[1]
    n_neg = neg_labels.shape[1]
    embed = out_embed_weight.shape[1]
    pad = NCTX - (1 + n_pos + n_neg)
    idx = jnp.concatenate(
        [
            input_labels[:, None],
            pos_labels,
            neg_labels,
            jnp.zeros((batch, pad), input_labels.dtype),
        ],
        axis=1,
    ).astype(jnp.int32).reshape(-1)
    sc_call = _make_sc_call(batch, embed, n_pos, n_neg)
    return sc_call(out_embed_weight, idx)

# --- scband reference (transcript-rebuilt; emitter-appended) ---
"""Pipeline reference for scband-embedding-model-66683662238315 (READ-ONLY COPY).

The authoritative reference and input builder live on the scoring server;
editing this copy changes nothing except your own understanding.
"""

import jax, jax.numpy as jnp
import numpy as np

VOCAB = 1000000
EMBED = 64
BATCH = 16384
N_POS = 10
N_NEG = 50

def setup_inputs(seed: int = 0) -> dict:
    key = jax.random.key(seed)
    k1, k2, k3, k4 = jax.random.split(key, 4)
    input_labels = jax.random.randint(k1, (BATCH,), 0, VOCAB, dtype=jnp.int64 if jax.config.jax_enable_x64 else jnp.int32)
    pos_labels = jax.random.randint(k2, (BATCH, N_POS), 0, VOCAB, dtype=jnp.int64 if jax.config.jax_enable_x64 else jnp.int32)
    neg_labels = jax.random.randint(k3, (BATCH, N_NEG), 0, VOCAB, dtype=jnp.int64 if jax.config.jax_enable_x64 else jnp.int32)
    out_embed_weight = jax.random.normal(k4, (VOCAB, EMBED), dtype=jnp.float32)
    return {"input_labels": input_labels, "pos_labels": pos_labels, "neg_labels": neg_labels, "out_embed_weight": out_embed_weight}

def reference(input_labels, pos_labels, neg_labels, out_embed_weight):
    # input_embedding = sigmoid(Embedding(input_labels)) -> [B, d]
    input_embedding = jax.nn.sigmoid(jnp.take(out_embed_weight, input_labels, axis=0))
    pos_embedding = jnp.take(out_embed_weight, pos_labels, axis=0)   # [B, P, d]
    neg_embedding = jnp.take(out_embed_weight, neg_labels, axis=0)   # [B, N, d]
    # bmm(pos_embedding, input_embedding.unsqueeze(2)).squeeze(2) -> [B, P]
    pos_dot = jnp.einsum('bpd,bd->bp', pos_embedding, input_embedding)
    neg_dot = jnp.einsum('bnd,bd->bn', neg_embedding, -input_embedding)
    pos_dot = jnp.clip(pos_dot, -10.0, 10.0)
    neg_dot = jnp.clip(neg_dot, -10.0, 10.0)
    log_pos = jax.nn.log_sigmoid(pos_dot).sum(axis=1)
    log_neg = jax.nn.log_sigmoid(neg_dot).sum(axis=1)
    loss = log_pos + log_neg
    return -loss

if __name__ == "__main__":
    import jax
    _d = setup_inputs()
    print(jax.jit(kernel)(*tuple(_d.values())))

</pallas_src>

<mosaic_0001>
#map = affine_map<(d0, d1) -> (0, 0)>
#map1 = affine_map<(d0, d1) -> (0)>
module attributes {stable_mosaic.version = 14 : i64} {
  func.func @sc_call(%arg0: i32, %arg1: i32, %arg2: memref<1000000x64xf32, #tpu.memory_space<hbm>>, %arg3: memref<1048576xi32, #tpu.memory_space<hbm>>, %arg4: memref<16384xf32, #tpu.memory_space<hbm>>, %arg5: memref<32768xi32, #tpu.memory_space<vmem>>, %arg6: memref<128x64xf32, #tpu.memory_space<vmem>>, %arg7: memref<64xf32, #tpu.memory_space<vmem>>, %arg8: memref<512xf32, #tpu.memory_space<vmem>>, %arg9: memref<!tpu.dma_semaphore, #tpu.memory_space<semaphore_mem>>) attributes {dimension_semantics = [#tpu.dimension_semantics<core_parallel>, #tpu.dimension_semantics<subcore_parallel>], iteration_bounds = array<i64: 2, 16>, scalar_prefetch = 0 : i64, scratch_operands = 5 : i64, tpu.core_type = #tpu.core_type<sc_vector_subcore>, window_params = [{transform_indices = #map}, {transform_indices = #map1}, {transform_indices = #map1}]} {
    %iota3A = tpu.iota {dimensions = array<i32: 0>} : vector<16xi32>
    %broadcast_in_dim3A = arith.constant 1.000000e+00 : f32
    %broadcast_in_dim3A_0 = vector.broadcast %broadcast_in_dim3A : f32 to vector<16xf32>
    %add3A = arith.constant 1 : i32
    %add3A_1 = vector.broadcast %add3A : i32 to vector<16xi32>
    %add3A_2 = arith.addi %iota3A, %add3A_1 : vector<16xi32>
    %le3A = arith.constant 10 : i32
    %le3A_3 = vector.broadcast %le3A : i32 to vector<16xi32>
    %le3A_4 = arith.cmpi sle, %add3A_2, %le3A_3 : vector<16xi32>
    %neg3A = arith.constant 0.000000e+00 : f32
    %neg3A_5 = vector.broadcast %neg3A : f32 to vector<16xf32>
    %neg3A_6 = arith.subf %neg3A_5, %broadcast_in_dim3A_0 : vector<16xf32>
    %select_n3A = arith.select %le3A_4, %broadcast_in_dim3A_0, %neg3A_6 : vector<16xi1>, vector<16xf32>
    %lt3A = arith.constant 61 : i32
    %lt3A_7 = vector.broadcast %lt3A : i32 to vector<16xi32>
    %lt3A_8 = arith.cmpi slt, %add3A_2, %lt3A_7 : vector<16xi32>
    %mul3A = arith.constant 0.000000e+00 : f32
    %mul3A_9 = vector.broadcast %mul3A : f32 to vector<16xf32>
    %mul3A_10 = arith.mulf %mul3A_9, %broadcast_in_dim3A_0 : vector<16xf32>
    %select_n3A_11 = arith.select %lt3A_8, %broadcast_in_dim3A_0, %mul3A_10 : vector<16xi1>, vector<16xf32>
    %add3A_12 = arith.constant 17 : i32
    %add3A_13 = vector.broadcast %add3A_12 : i32 to vector<16xi32>
    %add3A_14 = arith.addi %iota3A, %add3A_13 : vector<16xi32>
    %le3A_15 = arith.constant 10 : i32
    %le3A_16 = vector.broadcast %le3A_15 : i32 to vector<16xi32>
    %le3A_17 = arith.cmpi sle, %add3A_14, %le3A_16 : vector<16xi32>
    %neg3A_18 = arith.constant 0.000000e+00 : f32
    %neg3A_19 = vector.broadcast %neg3A_18 : f32 to vector<16xf32>
    %neg3A_20 = arith.subf %neg3A_19, %broadcast_in_dim3A_0 : vector<16xf32>
    %select_n3A_21 = arith.select %le3A_17, %broadcast_in_dim3A_0, %neg3A_20 : vector<16xi1>, vector<16xf32>
    %lt3A_22 = arith.constant 61 : i32
    %lt3A_23 = vector.broadcast %lt3A_22 : i32 to vector<16xi32>
    %lt3A_24 = arith.cmpi slt, %add3A_14, %lt3A_23 : vector<16xi32>
    %mul3A_25 = arith.constant 0.000000e+00 : f32
    %mul3A_26 = vector.broadcast %mul3A_25 : f32 to vector<16xf32>
    %mul3A_27 = arith.mulf %mul3A_26, %broadcast_in_dim3A_0 : vector<16xf32>
    %select_n3A_28 = arith.select %lt3A_24, %broadcast_in_dim3A_0, %mul3A_27 : vector<16xi1>, vector<16xf32>
    %add3A_29 = arith.constant 33 : i32
    %add3A_30 = vector.broadcast %add3A_29 : i32 to vector<16xi32>
    %add3A_31 = arith.addi %iota3A, %add3A_30 : vector<16xi32>
    %le3A_32 = arith.constant 10 : i32
    %le3A_33 = vector.broadcast %le3A_32 : i32 to vector<16xi32>
    %le3A_34 = arith.cmpi sle, %add3A_31, %le3A_33 : vector<16xi32>
    %neg3A_35 = arith.constant 0.000000e+00 : f32
    %neg3A_36 = vector.broadcast %neg3A_35 : f32 to vector<16xf32>
    %neg3A_37 = arith.subf %neg3A_36, %broadcast_in_dim3A_0 : vector<16xf32>
    %select_n3A_38 = arith.select %le3A_34, %broadcast_in_dim3A_0, %neg3A_37 : vector<16xi1>, vector<16xf32>
    %lt3A_39 = arith.constant 61 : i32
    %lt3A_40 = vector.broadcast %lt3A_39 : i32 to vector<16xi32>
    %lt3A_41 = arith.cmpi slt, %add3A_31, %lt3A_40 : vector<16xi32>
    %mul3A_42 = arith.constant 0.000000e+00 : f32
    %mul3A_43 = vector.broadcast %mul3A_42 : f32 to vector<16xf32>
    %mul3A_44 = arith.mulf %mul3A_43, %broadcast_in_dim3A_0 : vector<16xf32>
    %select_n3A_45 = arith.select %lt3A_41, %broadcast_in_dim3A_0, %mul3A_44 : vector<16xi1>, vector<16xf32>
    %add3A_46 = arith.constant 49 : i32
    %add3A_47 = vector.broadcast %add3A_46 : i32 to vector<16xi32>
    %add3A_48 = arith.addi %iota3A, %add3A_47 : vector<16xi32>
    %le3A_49 = arith.constant 10 : i32
    %le3A_50 = vector.broadcast %le3A_49 : i32 to vector<16xi32>
    %le3A_51 = arith.cmpi sle, %add3A_48, %le3A_50 : vector<16xi32>
    %neg3A_52 = arith.constant 0.000000e+00 : f32
    %neg3A_53 = vector.broadcast %neg3A_52 : f32 to vector<16xf32>
    %neg3A_54 = arith.subf %neg3A_53, %broadcast_in_dim3A_0 : vector<16xf32>
    %select_n3A_55 = arith.select %le3A_51, %broadcast_in_dim3A_0, %neg3A_54 : vector<16xi1>, vector<16xf32>
    %lt3A_56 = arith.constant 61 : i32
    %lt3A_57 = vector.broadcast %lt3A_56 : i32 to vector<16xi32>
    %lt3A_58 = arith.cmpi slt, %add3A_48, %lt3A_57 : vector<16xi32>
    %mul3A_59 = arith.constant 0.000000e+00 : f32
    %mul3A_60 = vector.broadcast %mul3A_59 : f32 to vector<16xf32>
    %mul3A_61 = arith.mulf %mul3A_60, %broadcast_in_dim3A_0 : vector<16xf32>
    %select_n3A_62 = arith.select %lt3A_58, %broadcast_in_dim3A_0, %mul3A_61 : vector<16xi1>, vector<16xf32>
    %mul3A_63 = arith.constant 2 : i32
    %mul3A_64 = arith.muli %arg1, %mul3A_63 : i32
    %add3A_65 = arith.addi %mul3A_64, %arg0 : i32
    %mul3A_66 = arith.constant 32768 : i32
    %mul3A_67 = arith.muli %add3A_65, %mul3A_66 : i32
    "tpu.region"() ({
      %run_scoped3A = tpu.sem_alloc : memref<!tpu.dma_semaphore, #tpu.memory_space<semaphore_mem>>
      %dma_start3A = tpu.memref_slice %arg3[%mul3A_67] : memref<1048576xi32, #tpu.memory_space<hbm>> -> memref<32768xi32, #tpu.memory_space<hbm>>
      %dma_start3A_75 = tpu.memref_slice %arg3[%mul3A_67] : memref<1048576xi32, #tpu.memory_space<hbm>> -> memref<32768xi32, #tpu.memory_space<hbm>>
      tpu.enqueue_dma source(%dma_start3A_75 : memref<32768xi32, #tpu.memory_space<hbm>>) target(%arg5 : memref<32768xi32, #tpu.memory_space<vmem>>) target_semaphore(%run_scoped3A : memref<!tpu.dma_semaphore, #tpu.memory_space<semaphore_mem>>)
      %dma_wait3A = tpu.memref_slice %arg3[%mul3A_67] : memref<1048576xi32, #tpu.memory_space<hbm>> -> memref<32768xi32, #tpu.memory_space<hbm>>
      %dma_wait3A_76 = tpu.memref_slice %arg3[%mul3A_67] : memref<1048576xi32, #tpu.memory_space<hbm>> -> memref<32768xi32, #tpu.memory_space<hbm>>
      tpu.wait_dma2 semaphore(%run_scoped3A : memref<!tpu.dma_semaphore, #tpu.memory_space<semaphore_mem>>) src(%dma_wait3A_76 : memref<32768xi32, #tpu.memory_space<hbm>>) dst(%arg5 : memref<32768xi32, #tpu.memory_space<vmem>>)
      tpu.yield
    }) : () -> ()
    %scan3A = arith.constant 0 : i32
    %scan3A_68 = arith.constant 0 : i32
    %scan3A_69 = arith.constant 256 : i32
    %scan3A_70 = arith.addi %scan3A_68, %scan3A_69 : i32
    %scan3A_71 = arith.constant 1 : i32
    scf.for %scan3A_75 = %scan3A_68 to %scan3A_70 step %scan3A_71  : i32 {
      %mul3A_76 = arith.constant 128 : i32
      %mul3A_77 = arith.muli %scan3A_75, %mul3A_76 : i32
      %dma_start3A = tpu.memref_slice %arg5[%mul3A_77] : memref<32768xi32, #tpu.memory_space<vmem>> -> memref<128xi32, #tpu.memory_space<vmem>>
      %dma_start3A_78 = arith.constant 0 : i32
      %dma_start3A_79 = arith.constant 0 : i32
      %dma_start3A_80 = tpu.memref_slice %arg2[%dma_start3A_78, %dma_start3A_79] : memref<1000000x64xf32, #tpu.memory_space<hbm>> -> memref<1000000x64xf32, #tpu.memory_space<hbm>>
      tpu.enqueue_indirect_dma source(%dma_start3A_80 : memref<1000000x64xf32, #tpu.memory_space<hbm>>) target(%arg6 : memref<128x64xf32, #tpu.memory_space<vmem>>) offsets(%dma_start3A : memref<128xi32, #tpu.memory_space<vmem>>) semaphore(%arg9 : memref<!tpu.dma_semaphore, #tpu.memory_space<semaphore_mem>>)
      %dma_wait3A = tpu.memref_slice %arg5[%mul3A_77] : memref<32768xi32, #tpu.memory_space<vmem>> -> memref<128xi32, #tpu.memory_space<vmem>>
      %dma_wait3A_81 = arith.constant 0 : i32
      %dma_wait3A_82 = arith.constant 0 : i32
      %dma_wait3A_83 = tpu.memref_slice %arg2[%dma_wait3A_81, %dma_wait3A_82] : memref<1000000x64xf32, #tpu.memory_space<hbm>> -> memref<1000000x64xf32, #tpu.memory_space<hbm>>
      tpu.wait_indirect_dma semaphore(%arg9 : memref<!tpu.dma_semaphore, #tpu.memory_space<semaphore_mem>>) src(%dma_wait3A_83 : memref<1000000x64xf32, #tpu.memory_space<hbm>>) dst(%arg6 : memref<128x64xf32, #tpu.memory_space<vmem>>)
      %get3A = arith.constant 0 : i32
      %get3A_84 = arith.index_cast %get3A : i32 to index
      %get3A_85 = arith.constant 0 : index
      %get3A_86 = tpu.vector_load %arg6[%get3A_84, %get3A_85] {strides = array<i32>} : memref<128x64xf32, #tpu.memory_space<vmem>>, vector<16xf32>,
      %neg3A_87 = arith.constant 0.000000e+00 : f32
      %neg3A_88 = vector.broadcast %neg3A_87 : f32 to vector<16xf32>
      %neg3A_89 = arith.subf %neg3A_88, %get3A_86 : vector<16xf32>
      %exp3A = math.exp %neg3A_89 : vector<16xf32>
      %add3A_90 = arith.constant 1.000000e+00 : f32
      %add3A_91 = vector.broadcast %add3A_90 : f32 to vector<16xf32>
      %add3A_92 = arith.addf %add3A_91, %exp3A : vector<16xf32>
      %div3A = arith.constant 1.000000e+00 : f32
      %div3A_93 = vector.broadcast %div3A : f32 to vector<16xf32>
      %div3A_94 = arith.divf %div3A_93, %add3A_92 : vector<16xf32>
      %swap3A = arith.constant 0 : index
      %swap3A_95 = tpu.vector_load %arg7[%swap3A] {strides = array<i32>} : memref<64xf32, #tpu.memory_space<vmem>>, vector<16xf32>,
      tpu.vector_store %arg7[%swap3A], %div3A_94 {strides = array<i32>} : memref<64xf32, #tpu.memory_space<vmem>>, vector<16xf32>,
      %get3A_96 = arith.constant 0 : i32
      %get3A_97 = arith.index_cast %get3A_96 : i32 to index
      %get3A_98 = arith.constant 16 : index
      %get3A_99 = tpu.vector_load %arg6[%get3A_97, %get3A_98] {strides = array<i32>} : memref<128x64xf32, #tpu.memory_space<vmem>>, vector<16xf32>,
      %neg3A_100 = arith.constant 0.000000e+00 : f32
      %neg3A_101 = vector.broadcast %neg3A_100 : f32 to vector<16xf32>
      %neg3A_102 = arith.subf %neg3A_101, %get3A_99 : vector<16xf32>
      %exp3A_103 = math.exp %neg3A_102 : vector<16xf32>
      %add3A_104 = arith.constant 1.000000e+00 : f32
      %add3A_105 = vector.broadcast %add3A_104 : f32 to vector<16xf32>
      %add3A_106 = arith.addf %add3A_105, %exp3A_103 : vector<16xf32>
      %div3A_107 = arith.constant 1.000000e+00 : f32
      %div3A_108 = vector.broadcast %div3A_107 : f32 to vector<16xf32>
      %div3A_109 = arith.divf %div3A_108, %add3A_106 : vector<16xf32>
      %swap3A_110 = arith.constant 16 : index
      %swap3A_111 = tpu.vector_load %arg7[%swap3A_110] {strides = array<i32>} : memref<64xf32, #tpu.memory_space<vmem>>, vector<16xf32>,
      tpu.vector_store %arg7[%swap3A_110], %div3A_109 {strides = array<i32>} : memref<64xf32, #tpu.memory_space<vmem>>, vector<16xf32>,
      %get3A_112 = arith.constant 0 : i32
      %get3A_113 = arith.index_cast %get3A_112 : i32 to index
      %get3A_114 = arith.constant 32 : index
      %get3A_115 = tpu.vector_load %arg6[%get3A_113, %get3A_114] {strides = array<i32>} : memref<128x64xf32, #tpu.memory_space<vmem>>, vector<16xf32>,
      %neg3A_116 = arith.constant 0.000000e+00 : f32
      %neg3A_117 = vector.broadcast %neg3A_116 : f32 to vector<16xf32>
      %neg3A_118 = arith.subf %neg3A_117, %get3A_115 : vector<16xf32>
      %exp3A_119 = math.exp %neg3A_118 : vector<16xf32>
      %add3A_120 = arith.constant 1.000000e+00 : f32
      %add3A_121 = vector.broadcast %add3A_120 : f32 to vector<16xf32>
      %add3A_122 = arith.addf %add3A_121, %exp3A_119 : vector<16xf32>
      %div3A_123 = arith.constant 1.000000e+00 : f32
      %div3A_124 = vector.broadcast %div3A_123 : f32 to vector<16xf32>
      %div3A_125 = arith.divf %div3A_124, %add3A_122 : vector<16xf32>
      %swap3A_126 = arith.constant 32 : index
      %swap3A_127 = tpu.vector_load %arg7[%swap3A_126] {strides = array<i32>} : memref<64xf32, #tpu.memory_space<vmem>>, vector<16xf32>,
      tpu.vector_store %arg7[%swap3A_126], %div3A_125 {strides = array<i32>} : memref<64xf32, #tpu.memory_space<vmem>>, vector<16xf32>,
      %get3A_128 = arith.constant 0 : i32
      %get3A_129 = arith.index_cast %get3A_128 : i32 to index
      %get3A_130 = arith.constant 48 : index
      %get3A_131 = tpu.vector_load %arg6[%get3A_129, %get3A_130] {strides = array<i32>} : memref<128x64xf32, #tpu.memory_space<vmem>>, vector<16xf32>,
      %neg3A_132 = arith.constant 0.000000e+00 : f32
      %neg3A_133 = vector.broadcast %neg3A_132 : f32 to vector<16xf32>
      %neg3A_134 = arith.subf %neg3A_133, %get3A_131 : vector<16xf32>
      %exp3A_135 = math.exp %neg3A_134 : vector<16xf32>
      %add3A_136 = arith.constant 1.000000e+00 : f32
      %add3A_137 = vector.broadcast %add3A_136 : f32 to vector<16xf32>
      %add3A_138 = arith.addf %add3A_137, %exp3A_135 : vector<16xf32>
      %div3A_139 = arith.constant 1.000000e+00 : f32
      %div3A_140 = vector.broadcast %div3A_139 : f32 to vector<16xf32>
      %div3A_141 = arith.divf %div3A_140, %add3A_138 : vector<16xf32>
      %swap3A_142 = arith.constant 48 : index
      %swap3A_143 = tpu.vector_load %arg7[%swap3A_142] {strides = array<i32>} : memref<64xf32, #tpu.memory_space<vmem>>, vector<16xf32>,
      tpu.vector_store %arg7[%swap3A_142], %div3A_141 {strides = array<i32>} : memref<64xf32, #tpu.memory_space<vmem>>, vector<16xf32>,
      %add3A_144 = arith.constant 1 : i32
      %add3A_145 = vector.broadcast %add3A_144 : i32 to vector<16xi32>
      %add3A_146 = arith.addi %iota3A, %add3A_145 : vector<16xi32>
      %min3A = arith.constant 127 : i32
      %min3A_147 = vector.broadcast %min3A : i32 to vector<16xi32>
      %min3A_148 = arith.minsi %add3A_146, %min3A_147 : vector<16xi32>
      %add3A_149 = arith.constant 17 : i32
      %add3A_150 = vector.broadcast %add3A_149 : i32 to vector<16xi32>
      %add3A_151 = arith.addi %iota3A, %add3A_150 : vector<16xi32>
      %min3A_152 = arith.constant 127 : i32
      %min3A_153 = vector.broadcast %min3A_152 : i32 to vector<16xi32>
      %min3A_154 = arith.minsi %add3A_151, %min3A_153 : vector<16xi32>
      %add3A_155 = arith.constant 33 : i32
      %add3A_156 = vector.broadcast %add3A_155 : i32 to vector<16xi32>
      %add3A_157 = arith.addi %iota3A, %add3A_156 : vector<16xi32>
      %min3A_158 = arith.constant 127 : i32
      %min3A_159 = vector.broadcast %min3A_158 : i32 to vector<16xi32>
      %min3A_160 = arith.minsi %add3A_157, %min3A_159 : vector<16xi32>
      %add3A_161 = arith.constant 49 : i32
      %add3A_162 = vector.broadcast %add3A_161 : i32 to vector<16xi32>
      %add3A_163 = arith.addi %iota3A, %add3A_162 : vector<16xi32>
      %min3A_164 = arith.constant 127 : i32
      %min3A_165 = vector.broadcast %min3A_164 : i32 to vector<16xi32>
      %min3A_166 = arith.minsi %add3A_163, %min3A_165 : vector<16xi32>
      %broadcast_in_dim3A_167 = arith.constant 0.000000e+00 : f32
      %broadcast_in_dim3A_168 = vector.broadcast %broadcast_in_dim3A_167 : f32 to vector<16xf32>
      %scan3A_169 = arith.constant 0 : i32
      %scan3A_170 = arith.constant 16 : i32
      %scan3A_171 = arith.addi %scan3A_169, %scan3A_170 : i32
      %scan3A_172 = arith.constant 1 : i32
      %scan3A_173:4 = scf.for %scan3A_772 = %scan3A_169 to %scan3A_171 step %scan3A_172 iter_args(%scan3A_773 = %broadcast_in_dim3A_168, %scan3A_774 = %broadcast_in_dim3A_168, %scan3A_775 = %broadcast_in_dim3A_168, %scan3A_776 = %broadcast_in_dim3A_168) -> (vector<16xf32>, vector<16xf32>, vector<16xf32>, vector<16xf32>)  : i32 {
        %mul3A_777 = arith.constant 4 : i32
        %mul3A_778 = arith.muli %mul3A_777, %scan3A_772 : i32
        %add3A_779 = arith.constant 0 : i32
        %add3A_780 = arith.addi %mul3A_778, %add3A_779 : i32
        %broadcast_in_dim3A_781 = vector.broadcast %add3A_780 : i32 to vector<16xi32>
        %gather3A = tpu.vector_load_idx %arg7[%broadcast_in_dim3A_781] : memref<64xf32, #tpu.memory_space<vmem>>[vector<16xi32>], vector<16xf32>,
        %gather3A_782 = tpu.vector_load_idx %arg6[%min3A_148, %broadcast_in_dim3A_781] : memref<128x64xf32, #tpu.memory_space<vmem>>[vector<16xi32>, vector<16xi32>], vector<16xf32>,
        %mul3A_783 = arith.mulf %gather3A_782, %gather3A : vector<16xf32>
        %add3A_784 = arith.addf %scan3A_773, %mul3A_783 : vector<16xf32>
        %gather3A_785 = tpu.vector_load_idx %arg6[%min3A_154, %broadcast_in_dim3A_781] : memref<128x64xf32, #tpu.memory_space<vmem>>[vector<16xi32>, vector<16xi32>], vector<16xf32>,
        %mul3A_786 = arith.mulf %gather3A_785, %gather3A : vector<16xf32>
        %add3A_787 = arith.addf %scan3A_774, %mul3A_786 : vector<16xf32>
        %gather3A_788 = tpu.vector_load_idx %arg6[%min3A_160, %broadcast_in_dim3A_781] : memref<128x64xf32, #tpu.memory_space<vmem>>[vector<16xi32>, vector<16xi32>], vector<16xf32>,
        %mul3A_789 = arith.mulf %gather3A_788, %gather3A : vector<16xf32>
        %add3A_790 = arith.addf %scan3A_775, %mul3A_789 : vector<16xf32>
        %gather3A_791 = tpu.vector_load_idx %arg6[%min3A_166, %broadcast_in_dim3A_781] : memref<128x64xf32, #tpu.memory_space<vmem>>[vector<16xi32>, vector<16xi32>], vector<16xf32>,
        %mul3A_792 = arith.mulf %gather3A_791, %gather3A : vector<16xf32>
        %add3A_793 = arith.addf %scan3A_776, %mul3A_792 : vector<16xf32>
        %mul3A_794 = arith.constant 4 : i32
        %mul3A_795 = arith.muli %mul3A_794, %scan3A_772 : i32
        %add3A_796 = arith.constant 1 : i32
        %add3A_797 = arith.addi %mul3A_795, %add3A_796 : i32
        %broadcast_in_dim3A_798 = vector.broadcast %add3A_797 : i32 to vector<16xi32>
        %gather3A_799 = tpu.vector_load_idx %arg7[%broadcast_in_dim3A_798] : memref<64xf32, #tpu.memory_space<vmem>>[vector<16xi32>], vector<16xf32>,
        %gather3A_800 = tpu.vector_load_idx %arg6[%min3A_148, %broadcast_in_dim3A_798] : memref<128x64xf32, #tpu.memory_space<vmem>>[vector<16xi32>, vector<16xi32>], vector<16xf32>,
        %mul3A_801 = arith.mulf %gather3A_800, %gather3A_799 : vector<16xf32>
        %add3A_802 = arith.addf %add3A_784, %mul3A_801 : vector<16xf32>
        %gather3A_803 = tpu.vector_load_idx %arg6[%min3A_154, %broadcast_in_dim3A_798] : memref<128x64xf32, #tpu.memory_space<vmem>>[vector<16xi32>, vector<16xi32>], vector<16xf32>,
        %mul3A_804 = arith.mulf %gather3A_803, %gather3A_799 : vector<16xf32>
        %add3A_805 = arith.addf %add3A_787, %mul3A_804 : vector<16xf32>
        %gather3A_806 = tpu.vector_load_idx %arg6[%min3A_160, %broadcast_in_dim3A_798] : memref<128x64xf32, #tpu.memory_space<vmem>>[vector<16xi32>, vector<16xi32>], vector<16xf32>,
        %mul3A_807 = arith.mulf %gather3A_806, %gather3A_799 : vector<16xf32>
        %add3A_808 = arith.addf %add3A_790, %mul3A_807 : vector<16xf32>
        %gather3A_809 = tpu.vector_load_idx %arg6[%min3A_166, %broadcast_in_dim3A_798] : memref<128x64xf32, #tpu.memory_space<vmem>>[vector<16xi32>, vector<16xi32>], vector<16xf32>,
        %mul3A_810 = arith.mulf %gather3A_809, %gather3A_799 : vector<16xf32>
        %add3A_811 = arith.addf %add3A_793, %mul3A_810 : vector<16xf32>
        %mul3A_812 = arith.constant 4 : i32
        %mul3A_813 = arith.muli %mul3A_812, %scan3A_772 : i32
        %add3A_814 = arith.constant 2 : i32
        %add3A_815 = arith.addi %mul3A_813, %add3A_814 : i32
        %broadcast_in_dim3A_816 = vector.broadcast %add3A_815 : i32 to vector<16xi32>
        %gather3A_817 = tpu.vector_load_idx %arg7[%broadcast_in_dim3A_816] : memref<64xf32, #tpu.memory_space<vmem>>[vector<16xi32>], vector<16xf32>,
        %gather3A_818 = tpu.vector_load_idx %arg6[%min3A_148, %broadcast_in_dim3A_816] : memref<128x64xf32, #tpu.memory_space<vmem>>[vector<16xi32>, vector<16xi32>], vector<16xf32>,
        %mul3A_819 = arith.mulf %gather3A_818, %gather3A_817 : vector<16xf32>
        %add3A_820 = arith.addf %add3A_802, %mul3A_819 : vector<16xf32>
        %gather3A_821 = tpu.vector_load_idx %arg6[%min3A_154, %broadcast_in_dim3A_816] : memref<128x64xf32, #tpu.memory_space<vmem>>[vector<16xi32>, vector<16xi32>], vector<16xf32>,
        %mul3A_822 = arith.mulf %gather3A_821, %gather3A_817 : vector<16xf32>
        %add3A_823 = arith.addf %add3A_805, %mul3A_822 : vector<16xf32>
        %gather3A_824 = tpu.vector_load_idx %arg6[%min3A_160, %broadcast_in_dim3A_816] : memref<128x64xf32, #tpu.memory_space<vmem>>[vector<16xi32>, vector<16xi32>], vector<16xf32>,
        %mul3A_825 = arith.mulf %gather3A_824, %gather3A_817 : vector<16xf32>
        %add3A_826 = arith.addf %add3A_808, %mul3A_825 : vector<16xf32>
        %gather3A_827 = tpu.vector_load_idx %arg6[%min3A_166, %broadcast_in_dim3A_816] : memref<128x64xf32, #tpu.memory_space<vmem>>[vector<16xi32>, vector<16xi32>], vector<16xf32>,
        %mul3A_828 = arith.mulf %gather3A_827, %gather3A_817 : vector<16xf32>
        %add3A_829 = arith.addf %add3A_811, %mul3A_828 : vector<16xf32>
        %mul3A_830 = arith.constant 4 : i32
        %mul3A_831 = arith.muli %mul3A_830, %scan3A_772 : i32
        %add3A_832 = arith.constant 3 : i32
        %add3A_833 = arith.addi %mul3A_831, %add3A_832 : i32
        %broadcast_in_dim3A_834 = vector.broadcast %add3A_833 : i32 to vector<16xi32>
        %gather3A_835 = tpu.vector_load_idx %arg7[%broadcast_in_dim3A_834] : memref<64xf32, #tpu.memory_space<vmem>>[vector<16xi32>], vector<16xf32>,
        %gather3A_836 = tpu.vector_load_idx %arg6[%min3A_148, %broadcast_in_dim3A_834] : memref<128x64xf32, #tpu.memory_space<vmem>>[vector<16xi32>, vector<16xi32>], vector<16xf32>,
        %mul3A_837 = arith.mulf %gather3A_836, %gather3A_835 : vector<16xf32>
        %add3A_838 = arith.addf %add3A_820, %mul3A_837 : vector<16xf32>
        %gather3A_839 = tpu.vector_load_idx %arg6[%min3A_154, %broadcast_in_dim3A_834] : memref<128x64xf32, #tpu.memory_space<vmem>>[vector<16xi32>, vector<16xi32>], vector<16xf32>,
        %mul3A_840 = arith.mulf %gather3A_839, %gather3A_835 : vector<16xf32>
        %add3A_841 = arith.addf %add3A_823, %mul3A_840 : vector<16xf32>
        %gather3A_842 = tpu.vector_load_idx %arg6[%min3A_160, %broadcast_in_dim3A_834] : memref<128x64xf32, #tpu.memory_space<vmem>>[vector<16xi32>, vector<16xi32>], vector<16xf32>,
        %mul3A_843 = arith.mulf %gather3A_842, %gather3A_835 : vector<16xf32>
        %add3A_844 = arith.addf %add3A_826, %mul3A_843 : vector<16xf32>
        %gather3A_845 = tpu.vector_load_idx %arg6[%min3A_166, %broadcast_in_dim3A_834] : memref<128x64xf32, #tpu.memory_space<vmem>>[vector<16xi32>, vector<16xi32>], vector<16xf32>,
        %mul3A_846 = arith.mulf %gather3A_845, %gather3A_835 : vector<16xf32>
        %add3A_847 = arith.addf %add3A_829, %mul3A_846 : vector<16xf32>
        scf.yield %add3A_838, %add3A_841, %add3A_844, %add3A_847 : vector<16xf32>, vector<16xf32>, vector<16xf32>, vector<16xf32>
      }
      %scan3A_174 = arith.constant 16 : i32
      %mul3A_175 = arith.mulf %scan3A_173#0, %select_n3A : vector<16xf32>
      %max3A = arith.constant -1.000000e+01 : f32
      %max3A_176 = vector.broadcast %max3A : f32 to vector<16xf32>
      %max3A_177 = arith.maximumf %mul3A_175, %max3A_176 : vector<16xf32>
      %min3A_178 = arith.constant 1.000000e+01 : f32
      %min3A_179 = vector.broadcast %min3A_178 : f32 to vector<16xf32>
      %min3A_180 = arith.minimumf %max3A_177, %min3A_179 : vector<16xf32>
      %neg3A_181 = arith.constant 0.000000e+00 : f32
      %neg3A_182 = vector.broadcast %neg3A_181 : f32 to vector<16xf32>
      %neg3A_183 = arith.subf %neg3A_182, %min3A_180 : vector<16xf32>
      %exp3A_184 = math.exp %neg3A_183 : vector<16xf32>
      %add3A_185 = arith.constant 1.000000e+00 : f32
      %add3A_186 = vector.broadcast %add3A_185 : f32 to vector<16xf32>
      %add3A_187 = arith.addf %add3A_186, %exp3A_184 : vector<16xf32>
      %bitcast3A = vector.bitcast %add3A_187 : vector<16xf32> to vector<16xi32>
      %shift_right_logical3A = arith.constant 23 : i32
      %shift_right_logical3A_188 = vector.broadcast %shift_right_logical3A : i32 to vector<16xi32>
      %shift_right_logical3A_189 = arith.shrui %bitcast3A, %shift_right_logical3A_188 : vector<16xi32>
      %sub3A = arith.constant 127 : i32
      %sub3A_190 = vector.broadcast %sub3A : i32 to vector<16xi32>
      %sub3A_191 = arith.subi %shift_right_logical3A_189, %sub3A_190 : vector<16xi32>
      %and3A = arith.constant 8388607 : i32
      %and3A_192 = vector.broadcast %and3A : i32 to vector<16xi32>
      %and3A_193 = arith.andi %bitcast3A, %and3A_192 : vector<16xi32>
      %or3A = arith.constant 1065353216 : i32
      %or3A_194 = vector.broadcast %or3A : i32 to vector<16xi32>
      %or3A_195 = arith.ori %and3A_193, %or3A_194 : vector<16xi32>
      %bitcast3A_196 = vector.bitcast %or3A_195 : vector<16xi32> to vector<16xf32>
      %mul3A_197 = arith.constant -0.0248259846 : f32
      %mul3A_198 = vector.broadcast %mul3A_197 : f32 to vector<16xf32>
      %mul3A_199 = arith.mulf %mul3A_198, %bitcast3A_196 : vector<16xf32>
      %add3A_200 = arith.constant 0.26686278 : f32
      %add3A_201 = vector.broadcast %add3A_200 : f32 to vector<16xf32>
      %add3A_202 = arith.addf %mul3A_199, %add3A_201 : vector<16xf32>
      %mul3A_203 = arith.mulf %add3A_202, %bitcast3A_196 : vector<16xf32>
      %add3A_204 = arith.constant -1.23427987 : f32
      %add3A_205 = vector.broadcast %add3A_204 : f32 to vector<16xf32>
      %add3A_206 = arith.addf %mul3A_203, %add3A_205 : vector<16xf32>
      %mul3A_207 = arith.mulf %add3A_206, %bitcast3A_196 : vector<16xf32>
      %add3A_208 = arith.constant 3.218870e+00 : f32
      %add3A_209 = vector.broadcast %add3A_208 : f32 to vector<16xf32>
      %add3A_210 = arith.addf %mul3A_207, %add3A_209 : vector<16xf32>
      %mul3A_211 = arith.mulf %add3A_210, %bitcast3A_196 : vector<16xf32>
      %add3A_212 = arith.constant -5.26415539 : f32
      %add3A_213 = vector.broadcast %add3A_212 : f32 to vector<16xf32>
      %add3A_214 = arith.addf %mul3A_211, %add3A_213 : vector<16xf32>
      %mul3A_215 = arith.mulf %add3A_214, %bitcast3A_196 : vector<16xf32>
      %add3A_216 = arith.constant 6.06585884 : f32
      %add3A_217 = vector.broadcast %add3A_216 : f32 to vector<16xf32>
      %add3A_218 = arith.addf %mul3A_215, %add3A_217 : vector<16xf32>
      %mul3A_219 = arith.mulf %add3A_218, %bitcast3A_196 : vector<16xf32>
      %add3A_220 = arith.constant -3.02832508 : f32
      %add3A_221 = vector.broadcast %add3A_220 : f32 to vector<16xf32>
      %add3A_222 = arith.addf %mul3A_219, %add3A_221 : vector<16xf32>
      %convert_element_type3A = arith.sitofp %sub3A_191 : vector<16xi32> to vector<16xf32>
      %add3A_223 = arith.addf %convert_element_type3A, %add3A_222 : vector<16xf32>
      %mul3A_224 = arith.constant 0.693147182 : f32
      %mul3A_225 = vector.broadcast %mul3A_224 : f32 to vector<16xf32>
      %mul3A_226 = arith.mulf %add3A_223, %mul3A_225 : vector<16xf32>
      %mul3A_227 = arith.mulf %mul3A_226, %select_n3A_11 : vector<16xf32>
      %add3A_228 = arith.addf %broadcast_in_dim3A_168, %mul3A_227 : vector<16xf32>
      %mul3A_229 = arith.mulf %scan3A_173#1, %select_n3A_21 : vector<16xf32>
      %max3A_230 = arith.constant -1.000000e+01 : f32
      %max3A_231 = vector.broadcast %max3A_230 : f32 to vector<16xf32>
      %max3A_232 = arith.maximumf %mul3A_229, %max3A_231 : vector<16xf32>
      %min3A_233 = arith.constant 1.000000e+01 : f32
      %min3A_234 = vector.broadcast %min3A_233 : f32 to vector<16xf32>
      %min3A_235 = arith.minimumf %max3A_232, %min3A_234 : vector<16xf32>
      %neg3A_236 = arith.constant 0.000000e+00 : f32
      %neg3A_237 = vector.broadcast %neg3A_236 : f32 to vector<16xf32>
      %neg3A_238 = arith.subf %neg3A_237, %min3A_235 : vector<16xf32>
      %exp3A_239 = math.exp %neg3A_238 : vector<16xf32>
      %add3A_240 = arith.constant 1.000000e+00 : f32
      %add3A_241 = vector.broadcast %add3A_240 : f32 to vector<16xf32>
      %add3A_242 = arith.addf %add3A_241, %exp3A_239 : vector<16xf32>
      %bitcast3A_243 = vector.bitcast %add3A_242 : vector<16xf32> to vector<16xi32>
      %shift_right_logical3A_244 = arith.constant 23 : i32
      %shift_right_logical3A_245 = vector.broadcast %shift_right_logical3A_244 : i32 to vector<16xi32>
      %shift_right_logical3A_246 = arith.shrui %bitcast3A_243, %shift_right_logical3A_245 : vector<16xi32>
      %sub3A_247 = arith.constant 127 : i32
      %sub3A_248 = vector.broadcast %sub3A_247 : i32 to vector<16xi32>
      %sub3A_249 = arith.subi %shift_right_logical3A_246, %sub3A_248 : vector<16xi32>
      %and3A_250 = arith.constant 8388607 : i32
      %and3A_251 = vector.broadcast %and3A_250 : i32 to vector<16xi32>
      %and3A_252 = arith.andi %bitcast3A_243, %and3A_251 : vector<16xi32>
      %or3A_253 = arith.constant 1065353216 : i32
      %or3A_254 = vector.broadcast %or3A_253 : i32 to vector<16xi32>
      %or3A_255 = arith.ori %and3A_252, %or3A_254 : vector<16xi32>
      %bitcast3A_256 = vector.bitcast %or3A_255 : vector<16xi32> to vector<16xf32>
      %mul3A_257 = arith.constant -0.0248259846 : f32
      %mul3A_258 = vector.broadcast %mul3A_257 : f32 to vector<16xf32>
      %mul3A_259 = arith.mulf %mul3A_258, %bitcast3A_256 : vector<16xf32>
      %add3A_260 = arith.constant 0.26686278 : f32
      %add3A_261 = vector.broadcast %add3A_260 : f32 to vector<16xf32>
      %add3A_262 = arith.addf %mul3A_259, %add3A_261 : vector<16xf32>
      %mul3A_263 = arith.mulf %add3A_262, %bitcast3A_256 : vector<16xf32>
      %add3A_264 = arith.constant -1.23427987 : f32
      %add3A_265 = vector.broadcast %add3A_264 : f32 to vector<16xf32>
      %add3A_266 = arith.addf %mul3A_263, %add3A_265 : vector<16xf32>
      %mul3A_267 = arith.mulf %add3A_266, %bitcast3A_256 : vector<16xf32>
      %add3A_268 = arith.constant 3.218870e+00 : f32
      %add3A_269 = vector.broadcast %add3A_268 : f32 to vector<16xf32>
      %add3A_270 = arith.addf %mul3A_267, %add3A_269 : vector<16xf32>
      %mul3A_271 = arith.mulf %add3A_270, %bitcast3A_256 : vector<16xf32>
      %add3A_272 = arith.constant -5.26415539 : f32
      %add3A_273 = vector.broadcast %add3A_272 : f32 to vector<16xf32>
      %add3A_274 = arith.addf %mul3A_271, %add3A_273 : vector<16xf32>
      %mul3A_275 = arith.mulf %add3A_274, %bitcast3A_256 : vector<16xf32>
      %add3A_276 = arith.constant 6.06585884 : f32
      %add3A_277 = vector.broadcast %add3A_276 : f32 to vector<16xf32>
      %add3A_278 = arith.addf %mul3A_275, %add3A_277 : vector<16xf32>
      %mul3A_279 = arith.mulf %add3A_278, %bitcast3A_256 : vector<16xf32>
      %add3A_280 = arith.constant -3.02832508 : f32
      %add3A_281 = vector.broadcast %add3A_280 : f32 to vector<16xf32>
      %add3A_282 = arith.addf %mul3A_279, %add3A_281 : vector<16xf32>
      %convert_element_type3A_283 = arith.sitofp %sub3A_249 : vector<16xi32> to vector<16xf32>
      %add3A_284 = arith.addf %convert_element_type3A_283, %add3A_282 : vector<16xf32>
      %mul3A_285 = arith.constant 0.693147182 : f32
      %mul3A_286 = vector.broadcast %mul3A_285 : f32 to vector<16xf32>
      %mul3A_287 = arith.mulf %add3A_284, %mul3A_286 : vector<16xf32>
      %mul3A_288 = arith.mulf %mul3A_287, %select_n3A_28 : vector<16xf32>
      %add3A_289 = arith.addf %add3A_228, %mul3A_288 : vector<16xf32>
      %mul3A_290 = arith.mulf %scan3A_173#2, %select_n3A_38 : vector<16xf32>
      %max3A_291 = arith.constant -1.000000e+01 : f32
      %max3A_292 = vector.broadcast %max3A_291 : f32 to vector<16xf32>
      %max3A_293 = arith.maximumf %mul3A_290, %max3A_292 : vector<16xf32>
      %min3A_294 = arith.constant 1.000000e+01 : f32
      %min3A_295 = vector.broadcast %min3A_294 : f32 to vector<16xf32>
      %min3A_296 = arith.minimumf %max3A_293, %min3A_295 : vector<16xf32>
      %neg3A_297 = arith.constant 0.000000e+00 : f32
      %neg3A_298 = vector.broadcast %neg3A_297 : f32 to vector<16xf32>
      %neg3A_299 = arith.subf %neg3A_298, %min3A_296 : vector<16xf32>
      %exp3A_300 = math.exp %neg3A_299 : vector<16xf32>
      %add3A_301 = arith.constant 1.000000e+00 : f32
      %add3A_302 = vector.broadcast %add3A_301 : f32 to vector<16xf32>
      %add3A_303 = arith.addf %add3A_302, %exp3A_300 : vector<16xf32>
      %bitcast3A_304 = vector.bitcast %add3A_303 : vector<16xf32> to vector<16xi32>
      %shift_right_logical3A_305 = arith.constant 23 : i32
      %shift_right_logical3A_306 = vector.broadcast %shift_right_logical3A_305 : i32 to vector<16xi32>
      %shift_right_logical3A_307 = arith.shrui %bitcast3A_304, %shift_right_logical3A_306 : vector<16xi32>
      %sub3A_308 = arith.constant 127 : i32
      %sub3A_309 = vector.broadcast %sub3A_308 : i32 to vector<16xi32>
      %sub3A_310 = arith.subi %shift_right_logical3A_307, %sub3A_309 : vector<16xi32>
      %and3A_311 = arith.constant 8388607 : i32
      %and3A_312 = vector.broadcast %and3A_311 : i32 to vector<16xi32>
      %and3A_313 = arith.andi %bitcast3A_304, %and3A_312 : vector<16xi32>
      %or3A_314 = arith.constant 1065353216 : i32
      %or3A_315 = vector.broadcast %or3A_314 : i32 to vector<16xi32>
      %or3A_316 = arith.ori %and3A_313, %or3A_315 : vector<16xi32>
      %bitcast3A_317 = vector.bitcast %or3A_316 : vector<16xi32> to vector<16xf32>
      %mul3A_318 = arith.constant -0.0248259846 : f32
      %mul3A_319 = vector.broadcast %mul3A_318 : f32 to vector<16xf32>
      %mul3A_320 = arith.mulf %mul3A_319, %bitcast3A_317 : vector<16xf32>
      %add3A_321 = arith.constant 0.26686278 : f32
      %add3A_322 = vector.broadcast %add3A_321 : f32 to vector<16xf32>
      %add3A_323 = arith.addf %mul3A_320, %add3A_322 : vector<16xf32>
      %mul3A_324 = arith.mulf %add3A_323, %bitcast3A_317 : vector<16xf32>
      %add3A_325 = arith.constant -1.23427987 : f32
      %add3A_326 = vector.broadcast %add3A_325 : f32 to vector<16xf32>
      %add3A_327 = arith.addf %mul3A_324, %add3A_326 : vector<16xf32>
      %mul3A_328 = arith.mulf %add3A_327, %bitcast3A_317 : vector<16xf32>
      %add3A_329 = arith.constant 3.218870e+00 : f32
      %add3A_330 = vector.broadcast %add3A_329 : f32 to vector<16xf32>
      %add3A_331 = arith.addf %mul3A_328, %add3A_330 : vector<16xf32>
      %mul3A_332 = arith.mulf %add3A_331, %bitcast3A_317 : vector<16xf32>
      %add3A_333 = arith.constant -5.26415539 : f32
      %add3A_334 = vector.broadcast %add3A_333 : f32 to vector<16xf32>
      %add3A_335 = arith.addf %mul3A_332, %add3A_334 : vector<16xf32>
      %mul3A_336 = arith.mulf %add3A_335, %bitcast3A_317 : vector<16xf32>
      %add3A_337 = arith.constant 6.06585884 : f32
      %add3A_338 = vector.broadcast %add3A_337 : f32 to vector<16xf32>
      %add3A_339 = arith.addf %mul3A_336, %add3A_338 : vector<16xf32>
      %mul3A_340 = arith.mulf %add3A_339, %bitcast3A_317 : vector<16xf32>
      %add3A_341 = arith.constant -3.02832508 : f32
      %add3A_342 = vector.broadcast %add3A_341 : f32 to vector<16xf32>
      %add3A_343 = arith.addf %mul3A_340, %add3A_342 : vector<16xf32>
      %convert_element_type3A_344 = arith.sitofp %sub3A_310 : vector<16xi32> to vector<16xf32>
      %add3A_345 = arith.addf %convert_element_type3A_344, %add3A_343 : vector<16xf32>
      %mul3A_346 = arith.constant 0.693147182 : f32
      %mul3A_347 = vector.broadcast %mul3A_346 : f32 to vector<16xf32>
      %mul3A_348 = arith.mulf %add3A_345, %mul3A_347 : vector<16xf32>
      %mul3A_349 = arith.mulf %mul3A_348, %select_n3A_45 : vector<16xf32>
      %add3A_350 = arith.addf %add3A_289, %mul3A_349 : vector<16xf32>
      %mul3A_351 = arith.mulf %scan3A_173#3, %select_n3A_55 : vector<16xf32>
      %max3A_352 = arith.constant -1.000000e+01 : f32
      %max3A_353 = vector.broadcast %max3A_352 : f32 to vector<16xf32>
      %max3A_354 = arith.maximumf %mul3A_351, %max3A_353 : vector<16xf32>
      %min3A_355 = arith.constant 1.000000e+01 : f32
      %min3A_356 = vector.broadcast %min3A_355 : f32 to vector<16xf32>
      %min3A_357 = arith.minimumf %max3A_354, %min3A_356 : vector<16xf32>
      %neg3A_358 = arith.constant 0.000000e+00 : f32
      %neg3A_359 = vector.broadcast %neg3A_358 : f32 to vector<16xf32>
      %neg3A_360 = arith.subf %neg3A_359, %min3A_357 : vector<16xf32>
      %exp3A_361 = math.exp %neg3A_360 : vector<16xf32>
      %add3A_362 = arith.constant 1.000000e+00 : f32
      %add3A_363 = vector.broadcast %add3A_362 : f32 to vector<16xf32>
      %add3A_364 = arith.addf %add3A_363, %exp3A_361 : vector<16xf32>
      %bitcast3A_365 = vector.bitcast %add3A_364 : vector<16xf32> to vector<16xi32>
      %shift_right_logical3A_366 = arith.constant 23 : i32
      %shift_right_logical3A_367 = vector.broadcast %shift_right_logical3A_366 : i32 to vector<16xi32>
      %shift_right_logical3A_368 = arith.shrui %bitcast3A_365, %shift_right_logical3A_367 : vector<16xi32>
      %sub3A_369 = arith.constant 127 : i32
      %sub3A_370 = vector.broadcast %sub3A_369 : i32 to vector<16xi32>
      %sub3A_371 = arith.subi %shift_right_logical3A_368, %sub3A_370 : vector<16xi32>
      %and3A_372 = arith.constant 8388607 : i32
      %and3A_373 = vector.broadcast %and3A_372 : i32 to vector<16xi32>
      %and3A_374 = arith.andi %bitcast3A_365, %and3A_373 : vector<16xi32>
      %or3A_375 = arith.constant 1065353216 : i32
      %or3A_376 = vector.broadcast %or3A_375 : i32 to vector<16xi32>
      %or3A_377 = arith.ori %and3A_374, %or3A_376 : vector<16xi32>
      %bitcast3A_378 = vector.bitcast %or3A_377 : vector<16xi32> to vector<16xf32>
      %mul3A_379 = arith.constant -0.0248259846 : f32
      %mul3A_380 = vector.broadcast %mul3A_379 : f32 to vector<16xf32>
      %mul3A_381 = arith.mulf %mul3A_380, %bitcast3A_378 : vector<16xf32>
      %add3A_382 = arith.constant 0.26686278 : f32
      %add3A_383 = vector.broadcast %add3A_382 : f32 to vector<16xf32>
      %add3A_384 = arith.addf %mul3A_381, %add3A_383 : vector<16xf32>
      %mul3A_385 = arith.mulf %add3A_384, %bitcast3A_378 : vector<16xf32>
      %add3A_386 = arith.constant -1.23427987 : f32
      %add3A_387 = vector.broadcast %add3A_386 : f32 to vector<16xf32>
      %add3A_388 = arith.addf %mul3A_385, %add3A_387 : vector<16xf32>
      %mul3A_389 = arith.mulf %add3A_388, %bitcast3A_378 : vector<16xf32>
      %add3A_390 = arith.constant 3.218870e+00 : f32
      %add3A_391 = vector.broadcast %add3A_390 : f32 to vector<16xf32>
      %add3A_392 = arith.addf %mul3A_389, %add3A_391 : vector<16xf32>
      %mul3A_393 = arith.mulf %add3A_392, %bitcast3A_378 : vector<16xf32>
      %add3A_394 = arith.constant -5.26415539 : f32
      %add3A_395 = vector.broadcast %add3A_394 : f32 to vector<16xf32>
      %add3A_396 = arith.addf %mul3A_393, %add3A_395 : vector<16xf32>
      %mul3A_397 = arith.mulf %add3A_396, %bitcast3A_378 : vector<16xf32>
      %add3A_398 = arith.constant 6.06585884 : f32
      %add3A_399 = vector.broadcast %add3A_398 : f32 to vector<16xf32>
      %add3A_400 = arith.addf %mul3A_397, %add3A_399 : vector<16xf32>
      %mul3A_401 = arith.mulf %add3A_400, %bitcast3A_378 : vector<16xf32>
      %add3A_402 = arith.constant -3.02832508 : f32
      %add3A_403 = vector.broadcast %add3A_402 : f32 to vector<16xf32>
      %add3A_404 = arith.addf %mul3A_401, %add3A_403 : vector<16xf32>
      %convert_element_type3A_405 = arith.sitofp %sub3A_371 : vector<16xi32> to vector<16xf32>
      %add3A_406 = arith.addf %convert_element_type3A_405, %add3A_404 : vector<16xf32>
      %mul3A_407 = arith.constant 0.693147182 : f32
      %mul3A_408 = vector.broadcast %mul3A_407 : f32 to vector<16xf32>
      %mul3A_409 = arith.mulf %add3A_406, %mul3A_408 : vector<16xf32>
      %mul3A_410 = arith.mulf %mul3A_409, %select_n3A_62 : vector<16xf32>
      %add3A_411 = arith.addf %add3A_350, %mul3A_410 : vector<16xf32>
      %broadcast_in_dim3A_412 = arith.constant true
      %broadcast_in_dim3A_413 = vector.broadcast %broadcast_in_dim3A_412 : i1 to vector<16xi1>
      %masked_cumsum3A = tpu.scan <sum>, %add3A_411 masked %broadcast_in_dim3A_413 : vector<16xf32>, vector<16xi1> -> vector<16xf32>
      %mul3A_414 = arith.constant 2 : i32
      %mul3A_415 = arith.muli %scan3A_75, %mul3A_414 : i32
      %add3A_416 = arith.constant 0 : i32
      %add3A_417 = arith.addi %mul3A_415, %add3A_416 : i32
      %broadcast_in_dim3A_418 = vector.broadcast %add3A_417 : i32 to vector<16xi32>
      %eq3A = arith.constant 15 : i32
      %eq3A_419 = vector.broadcast %eq3A : i32 to vector<16xi32>
      %eq3A_420 = arith.cmpi eq, %iota3A, %eq3A_419 : vector<16xi32>
      tpu.vector_store_idx %arg8[%broadcast_in_dim3A_418], %masked_cumsum3A masked %eq3A_420 : memref<512xf32, #tpu.memory_space<vmem>>[vector<16xi32>], vector<16xf32>, vector<16xi1>
      %get3A_421 = arith.constant 64 : i32
      %get3A_422 = arith.index_cast %get3A_421 : i32 to index
      %get3A_423 = arith.constant 0 : index
      %get3A_424 = tpu.vector_load %arg6[%get3A_422, %get3A_423] {strides = array<i32>} : memref<128x64xf32, #tpu.memory_space<vmem>>, vector<16xf32>,
      %neg3A_425 = arith.constant 0.000000e+00 : f32
      %neg3A_426 = vector.broadcast %neg3A_425 : f32 to vector<16xf32>
      %neg3A_427 = arith.subf %neg3A_426, %get3A_424 : vector<16xf32>
      %exp3A_428 = math.exp %neg3A_427 : vector<16xf32>
      %add3A_429 = arith.constant 1.000000e+00 : f32
      %add3A_430 = vector.broadcast %add3A_429 : f32 to vector<16xf32>
      %add3A_431 = arith.addf %add3A_430, %exp3A_428 : vector<16xf32>
      %div3A_432 = arith.constant 1.000000e+00 : f32
      %div3A_433 = vector.broadcast %div3A_432 : f32 to vector<16xf32>
      %div3A_434 = arith.divf %div3A_433, %add3A_431 : vector<16xf32>
      %swap3A_435 = arith.constant 0 : index
      %swap3A_436 = tpu.vector_load %arg7[%swap3A_435] {strides = array<i32>} : memref<64xf32, #tpu.memory_space<vmem>>, vector<16xf32>,
      tpu.vector_store %arg7[%swap3A_435], %div3A_434 {strides = array<i32>} : memref<64xf32, #tpu.memory_space<vmem>>, vector<16xf32>,
      %get3A_437 = arith.constant 64 : i32
      %get3A_438 = arith.index_cast %get3A_437 : i32 to index
      %get3A_439 = arith.constant 16 : index
      %get3A_440 = tpu.vector_load %arg6[%get3A_438, %get3A_439] {strides = array<i32>} : memref<128x64xf32, #tpu.memory_space<vmem>>, vector<16xf32>,
      %neg3A_441 = arith.constant 0.000000e+00 : f32
      %neg3A_442 = vector.broadcast %neg3A_441 : f32 to vector<16xf32>
      %neg3A_443 = arith.subf %neg3A_442, %get3A_440 : vector<16xf32>
      %exp3A_444 = math.exp %neg3A_443 : vector<16xf32>
      %add3A_445 = arith.constant 1.000000e+00 : f32
      %add3A_446 = vector.broadcast %add3A_445 : f32 to vector<16xf32>
      %add3A_447 = arith.addf %add3A_446, %exp3A_444 : vector<16xf32>
      %div3A_448 = arith.constant 1.000000e+00 : f32
      %div3A_449 = vector.broadcast %div3A_448 : f32 to vector<16xf32>
      %div3A_450 = arith.divf %div3A_449, %add3A_447 : vector<16xf32>
      %swap3A_451 = arith.constant 16 : index
      %swap3A_452 = tpu.vector_load %arg7[%swap3A_451] {strides = array<i32>} : memref<64xf32, #tpu.memory_space<vmem>>, vector<16xf32>,
      tpu.vector_store %arg7[%swap3A_451], %div3A_450 {strides = array<i32>} : memref<64xf32, #tpu.memory_space<vmem>>, vector<16xf32>,
      %get3A_453 = arith.constant 64 : i32
      %get3A_454 = arith.index_cast %get3A_453 : i32 to index
      %get3A_455 = arith.constant 32 : index
      %get3A_456 = tpu.vector_load %arg6[%get3A_454, %get3A_455] {strides = array<i32>} : memref<128x64xf32, #tpu.memory_space<vmem>>, vector<16xf32>,
      %neg3A_457 = arith.constant 0.000000e+00 : f32
      %neg3A_458 = vector.broadcast %neg3A_457 : f32 to vector<16xf32>
      %neg3A_459 = arith.subf %neg3A_458, %get3A_456 : vector<16xf32>
      %exp3A_460 = math.exp %neg3A_459 : vector<16xf32>
      %add3A_461 = arith.constant 1.000000e+00 : f32
      %add3A_462 = vector.broadcast %add3A_461 : f32 to vector<16xf32>
      %add3A_463 = arith.addf %add3A_462, %exp3A_460 : vector<16xf32>
      %div3A_464 = arith.constant 1.000000e+00 : f32
      %div3A_465 = vector.broadcast %div3A_464 : f32 to vector<16xf32>
      %div3A_466 = arith.divf %div3A_465, %add3A_463 : vector<16xf32>
      %swap3A_467 = arith.constant 32 : index
      %swap3A_468 = tpu.vector_load %arg7[%swap3A_467] {strides = array<i32>} : memref<64xf32, #tpu.memory_space<vmem>>, vector<16xf32>,
      tpu.vector_store %arg7[%swap3A_467], %div3A_466 {strides = array<i32>} : memref<64xf32, #tpu.memory_space<vmem>>, vector<16xf32>,
      %get3A_469 = arith.constant 64 : i32
      %get3A_470 = arith.index_cast %get3A_469 : i32 to index
      %get3A_471 = arith.constant 48 : index
      %get3A_472 = tpu.vector_load %arg6[%get3A_470, %get3A_471] {strides = array<i32>} : memref<128x64xf32, #tpu.memory_space<vmem>>, vector<16xf32>,
      %neg3A_473 = arith.constant 0.000000e+00 : f32
      %neg3A_474 = vector.broadcast %neg3A_473 : f32 to vector<16xf32>
      %neg3A_475 = arith.subf %neg3A_474, %get3A_472 : vector<16xf32>
      %exp3A_476 = math.exp %neg3A_475 : vector<16xf32>
      %add3A_477 = arith.constant 1.000000e+00 : f32
      %add3A_478 = vector.broadcast %add3A_477 : f32 to vector<16xf32>
      %add3A_479 = arith.addf %add3A_478, %exp3A_476 : vector<16xf32>
      %div3A_480 = arith.constant 1.000000e+00 : f32
      %div3A_481 = vector.broadcast %div3A_480 : f32 to vector<16xf32>
      %div3A_482 = arith.divf %div3A_481, %add3A_479 : vector<16xf32>
      %swap3A_483 = arith.constant 48 : index
      %swap3A_484 = tpu.vector_load %arg7[%swap3A_483] {strides = array<i32>} : memref<64xf32, #tpu.memory_space<vmem>>, vector<16xf32>,
      tpu.vector_store %arg7[%swap3A_483], %div3A_482 {strides = array<i32>} : memref<64xf32, #tpu.memory_space<vmem>>, vector<16xf32>,
      %add3A_485 = arith.constant 65 : i32
      %add3A_486 = vector.broadcast %add3A_485 : i32 to vector<16xi32>
      %add3A_487 = arith.addi %iota3A, %add3A_486 : vector<16xi32>
      %min3A_488 = arith.constant 127 : i32
      %min3A_489 = vector.broadcast %min3A_488 : i32 to vector<16xi32>
      %min3A_490 = arith.minsi %add3A_487, %min3A_489 : vector<16xi32>
      %add3A_491 = arith.constant 81 : i32
      %add3A_492 = vector.broadcast %add3A_491 : i32 to vector<16xi32>
      %add3A_493 = arith.addi %iota3A, %add3A_492 : vector<16xi32>
      %min3A_494 = arith.constant 127 : i32
      %min3A_495 = vector.broadcast %min3A_494 : i32 to vector<16xi32>
      %min3A_496 = arith.minsi %add3A_493, %min3A_495 : vector<16xi32>
      %add3A_497 = arith.constant 97 : i32
      %add3A_498 = vector.broadcast %add3A_497 : i32 to vector<16xi32>
      %add3A_499 = arith.addi %iota3A, %add3A_498 : vector<16xi32>
      %min3A_500 = arith.constant 127 : i32
      %min3A_501 = vector.broadcast %min3A_500 : i32 to vector<16xi32>
      %min3A_502 = arith.minsi %add3A_499, %min3A_501 : vector<16xi32>
      %add3A_503 = arith.constant 113 : i32
      %add3A_504 = vector.broadcast %add3A_503 : i32 to vector<16xi32>
      %add3A_505 = arith.addi %iota3A, %add3A_504 : vector<16xi32>
      %min3A_506 = arith.constant 127 : i32
      %min3A_507 = vector.broadcast %min3A_506 : i32 to vector<16xi32>
      %min3A_508 = arith.minsi %add3A_505, %min3A_507 : vector<16xi32>
      %broadcast_in_dim3A_509 = arith.constant 0.000000e+00 : f32
      %broadcast_in_dim3A_510 = vector.broadcast %broadcast_in_dim3A_509 : f32 to vector<16xf32>
      %scan3A_511 = arith.constant 0 : i32
      %scan3A_512 = arith.constant 16 : i32
      %scan3A_513 = arith.addi %scan3A_511, %scan3A_512 : i32
      %scan3A_514 = arith.constant 1 : i32
      %scan3A_515:4 = scf.for %scan3A_772 = %scan3A_511 to %scan3A_513 step %scan3A_514 iter_args(%scan3A_773 = %broadcast_in_dim3A_510, %scan3A_774 = %broadcast_in_dim3A_510, %scan3A_775 = %broadcast_in_dim3A_510, %scan3A_776 = %broadcast_in_dim3A_510) -> (vector<16xf32>, vector<16xf32>, vector<16xf32>, vector<16xf32>)  : i32 {
        %mul3A_777 = arith.constant 4 : i32
        %mul3A_778 = arith.muli %mul3A_777, %scan3A_772 : i32
        %add3A_779 = arith.constant 0 : i32
        %add3A_780 = arith.addi %mul3A_778, %add3A_779 : i32
        %broadcast_in_dim3A_781 = vector.broadcast %add3A_780 : i32 to vector<16xi32>
        %gather3A = tpu.vector_load_idx %arg7[%broadcast_in_dim3A_781] : memref<64xf32, #tpu.memory_space<vmem>>[vector<16xi32>], vector<16xf32>,
        %gather3A_782 = tpu.vector_load_idx %arg6[%min3A_490, %broadcast_in_dim3A_781] : memref<128x64xf32, #tpu.memory_space<vmem>>[vector<16xi32>, vector<16xi32>], vector<16xf32>,
        %mul3A_783 = arith.mulf %gather3A_782, %gather3A : vector<16xf32>
        %add3A_784 = arith.addf %scan3A_773, %mul3A_783 : vector<16xf32>
        %gather3A_785 = tpu.vector_load_idx %arg6[%min3A_496, %broadcast_in_dim3A_781] : memref<128x64xf32, #tpu.memory_space<vmem>>[vector<16xi32>, vector<16xi32>], vector<16xf32>,
        %mul3A_786 = arith.mulf %gather3A_785, %gather3A : vector<16xf32>
        %add3A_787 = arith.addf %scan3A_774, %mul3A_786 : vector<16xf32>
        %gather3A_788 = tpu.vector_load_idx %arg6[%min3A_502, %broadcast_in_dim3A_781] : memref<128x64xf32, #tpu.memory_space<vmem>>[vector<16xi32>, vector<16xi32>], vector<16xf32>,
        %mul3A_789 = arith.mulf %gather3A_788, %gather3A : vector<16xf32>
        %add3A_790 = arith.addf %scan3A_775, %mul3A_789 : vector<16xf32>
        %gather3A_791 = tpu.vector_load_idx %arg6[%min3A_508, %broadcast_in_dim3A_781] : memref<128x64xf32, #tpu.memory_space<vmem>>[vector<16xi32>, vector<16xi32>], vector<16xf32>,
        %mul3A_792 = arith.mulf %gather3A_791, %gather3A : vector<16xf32>
        %add3A_793 = arith.addf %scan3A_776, %mul3A_792 : vector<16xf32>
        %mul3A_794 = arith.constant 4 : i32
        %mul3A_795 = arith.muli %mul3A_794, %scan3A_772 : i32
        %add3A_796 = arith.constant 1 : i32
        %add3A_797 = arith.addi %mul3A_795, %add3A_796 : i32
        %broadcast_in_dim3A_798 = vector.broadcast %add3A_797 : i32 to vector<16xi32>
        %gather3A_799 = tpu.vector_load_idx %arg7[%broadcast_in_dim3A_798] : memref<64xf32, #tpu.memory_space<vmem>>[vector<16xi32>], vector<16xf32>,
        %gather3A_800 = tpu.vector_load_idx %arg6[%min3A_490, %broadcast_in_dim3A_798] : memref<128x64xf32, #tpu.memory_space<vmem>>[vector<16xi32>, vector<16xi32>], vector<16xf32>,
        %mul3A_801 = arith.mulf %gather3A_800, %gather3A_799 : vector<16xf32>
        %add3A_802 = arith.addf %add3A_784, %mul3A_801 : vector<16xf32>
        %gather3A_803 = tpu.vector_load_idx %arg6[%min3A_496, %broadcast_in_dim3A_798] : memref<128x64xf32, #tpu.memory_space<vmem>>[vector<16xi32>, vector<16xi32>], vector<16xf32>,
        %mul3A_804 = arith.mulf %gather3A_803, %gather3A_799 : vector<16xf32>
        %add3A_805 = arith.addf %add3A_787, %mul3A_804 : vector<16xf32>
        %gather3A_806 = tpu.vector_load_idx %arg6[%min3A_502, %broadcast_in_dim3A_798] : memref<128x64xf32, #tpu.memory_space<vmem>>[vector<16xi32>, vector<16xi32>], vector<16xf32>,
        %mul3A_807 = arith.mulf %gather3A_806, %gather3A_799 : vector<16xf32>
        %add3A_808 = arith.addf %add3A_790, %mul3A_807 : vector<16xf32>
        %gather3A_809 = tpu.vector_load_idx %arg6[%min3A_508, %broadcast_in_dim3A_798] : memref<128x64xf32, #tpu.memory_space<vmem>>[vector<16xi32>, vector<16xi32>], vector<16xf32>,
        %mul3A_810 = arith.mulf %gather3A_809, %gather3A_799 : vector<16xf32>
        %add3A_811 = arith.addf %add3A_793, %mul3A_810 : vector<16xf32>
        %mul3A_812 = arith.constant 4 : i32
        %mul3A_813 = arith.muli %mul3A_812, %scan3A_772 : i32
        %add3A_814 = arith.constant 2 : i32
        %add3A_815 = arith.addi %mul3A_813, %add3A_814 : i32
        %broadcast_in_dim3A_816 = vector.broadcast %add3A_815 : i32 to vector<16xi32>
        %gather3A_817 = tpu.vector_load_idx %arg7[%broadcast_in_dim3A_816] : memref<64xf32, #tpu.memory_space<vmem>>[vector<16xi32>], vector<16xf32>,
        %gather3A_818 = tpu.vector_load_idx %arg6[%min3A_490, %broadcast_in_dim3A_816] : memref<128x64xf32, #tpu.memory_space<vmem>>[vector<16xi32>, vector<16xi32>], vector<16xf32>,
        %mul3A_819 = arith.mulf %gather3A_818, %gather3A_817 : vector<16xf32>
        %add3A_820 = arith.addf %add3A_802, %mul3A_819 : vector<16xf32>
        %gather3A_821 = tpu.vector_load_idx %arg6[%min3A_496, %broadcast_in_dim3A_816] : memref<128x64xf32, #tpu.memory_space<vmem>>[vector<16xi32>, vector<16xi32>], vector<16xf32>,
        %mul3A_822 = arith.mulf %gather3A_821, %gather3A_817 : vector<16xf32>
        %add3A_823 = arith.addf %add3A_805, %mul3A_822 : vector<16xf32>
        %gather3A_824 = tpu.vector_load_idx %arg6[%min3A_502, %broadcast_in_dim3A_816] : memref<128x64xf32, #tpu.memory_space<vmem>>[vector<16xi32>, vector<16xi32>], vector<16xf32>,
        %mul3A_825 = arith.mulf %gather3A_824, %gather3A_817 : vector<16xf32>
        %add3A_826 = arith.addf %add3A_808, %mul3A_825 : vector<16xf32>
        %gather3A_827 = tpu.vector_load_idx %arg6[%min3A_508, %broadcast_in_dim3A_816] : memref<128x64xf32, #tpu.memory_space<vmem>>[vector<16xi32>, vector<16xi32>], vector<16xf32>,
        %mul3A_828 = arith.mulf %gather3A_827, %gather3A_817 : vector<16xf32>
        %add3A_829 = arith.addf %add3A_811, %mul3A_828 : vector<16xf32>
        %mul3A_830 = arith.constant 4 : i32
        %mul3A_831 = arith.muli %mul3A_830, %scan3A_772 : i32
        %add3A_832 = arith.constant 3 : i32
        %add3A_833 = arith.addi %mul3A_831, %add3A_832 : i32
        %broadcast_in_dim3A_834 = vector.broadcast %add3A_833 : i32 to vector<16xi32>
        %gather3A_835 = tpu.vector_load_idx %arg7[%broadcast_in_dim3A_834] : memref<64xf32, #tpu.memory_space<vmem>>[vector<16xi32>], vector<16xf32>,
        %gather3A_836 = tpu.vector_load_idx %arg6[%min3A_490, %broadcast_in_dim3A_834] : memref<128x64xf32, #tpu.memory_space<vmem>>[vector<16xi32>, vector<16xi32>], vector<16xf32>,
        %mul3A_837 = arith.mulf %gather3A_836, %gather3A_835 : vector<16xf32>
        %add3A_838 = arith.addf %add3A_820, %mul3A_837 : vector<16xf32>
        %gather3A_839 = tpu.vector_load_idx %arg6[%min3A_496, %broadcast_in_dim3A_834] : memref<128x64xf32, #tpu.memory_space<vmem>>[vector<16xi32>, vector<16xi32>], vector<16xf32>,
        %mul3A_840 = arith.mulf %gather3A_839, %gather3A_835 : vector<16xf32>
        %add3A_841 = arith.addf %add3A_823, %mul3A_840 : vector<16xf32>
        %gather3A_842 = tpu.vector_load_idx %arg6[%min3A_502, %broadcast_in_dim3A_834] : memref<128x64xf32, #tpu.memory_space<vmem>>[vector<16xi32>, vector<16xi32>], vector<16xf32>,
        %mul3A_843 = arith.mulf %gather3A_842, %gather3A_835 : vector<16xf32>
        %add3A_844 = arith.addf %add3A_826, %mul3A_843 : vector<16xf32>
        %gather3A_845 = tpu.vector_load_idx %arg6[%min3A_508, %broadcast_in_dim3A_834] : memref<128x64xf32, #tpu.memory_space<vmem>>[vector<16xi32>, vector<16xi32>], vector<16xf32>,
        %mul3A_846 = arith.mulf %gather3A_845, %gather3A_835 : vector<16xf32>
        %add3A_847 = arith.addf %add3A_829, %mul3A_846 : vector<16xf32>
        scf.yield %add3A_838, %add3A_841, %add3A_844, %add3A_847 : vector<16xf32>, vector<16xf32>, vector<16xf32>, vector<16xf32>
      }
      %scan3A_516 = arith.constant 16 : i32
      %mul3A_517 = arith.mulf %scan3A_515#0, %select_n3A : vector<16xf32>
      %max3A_518 = arith.constant -1.000000e+01 : f32
      %max3A_519 = vector.broadcast %max3A_518 : f32 to vector<16xf32>
      %max3A_520 = arith.maximumf %mul3A_517, %max3A_519 : vector<16xf32>
      %min3A_521 = arith.constant 1.000000e+01 : f32
      %min3A_522 = vector.broadcast %min3A_521 : f32 to vector<16xf32>
      %min3A_523 = arith.minimumf %max3A_520, %min3A_522 : vector<16xf32>
      %neg3A_524 = arith.constant 0.000000e+00 : f32
      %neg3A_525 = vector.broadcast %neg3A_524 : f32 to vector<16xf32>
      %neg3A_526 = arith.subf %neg3A_525, %min3A_523 : vector<16xf32>
      %exp3A_527 = math.exp %neg3A_526 : vector<16xf32>
      %add3A_528 = arith.constant 1.000000e+00 : f32
      %add3A_529 = vector.broadcast %add3A_528 : f32 to vector<16xf32>
      %add3A_530 = arith.addf %add3A_529, %exp3A_527 : vector<16xf32>
      %bitcast3A_531 = vector.bitcast %add3A_530 : vector<16xf32> to vector<16xi32>
      %shift_right_logical3A_532 = arith.constant 23 : i32
      %shift_right_logical3A_533 = vector.broadcast %shift_right_logical3A_532 : i32 to vector<16xi32>
      %shift_right_logical3A_534 = arith.shrui %bitcast3A_531, %shift_right_logical3A_533 : vector<16xi32>
      %sub3A_535 = arith.constant 127 : i32
      %sub3A_536 = vector.broadcast %sub3A_535 : i32 to vector<16xi32>
      %sub3A_537 = arith.subi %shift_right_logical3A_534, %sub3A_536 : vector<16xi32>
      %and3A_538 = arith.constant 8388607 : i32
      %and3A_539 = vector.broadcast %and3A_538 : i32 to vector<16xi32>
      %and3A_540 = arith.andi %bitcast3A_531, %and3A_539 : vector<16xi32>
      %or3A_541 = arith.constant 1065353216 : i32
      %or3A_542 = vector.broadcast %or3A_541 : i32 to vector<16xi32>
      %or3A_543 = arith.ori %and3A_540, %or3A_542 : vector<16xi32>
      %bitcast3A_544 = vector.bitcast %or3A_543 : vector<16xi32> to vector<16xf32>
      %mul3A_545 = arith.constant -0.0248259846 : f32
      %mul3A_546 = vector.broadcast %mul3A_545 : f32 to vector<16xf32>
      %mul3A_547 = arith.mulf %mul3A_546, %bitcast3A_544 : vector<16xf32>
      %add3A_548 = arith.constant 0.26686278 : f32
      %add3A_549 = vector.broadcast %add3A_548 : f32 to vector<16xf32>
      %add3A_550 = arith.addf %mul3A_547, %add3A_549 : vector<16xf32>
      %mul3A_551 = arith.mulf %add3A_550, %bitcast3A_544 : vector<16xf32>
      %add3A_552 = arith.constant -1.23427987 : f32
      %add3A_553 = vector.broadcast %add3A_552 : f32 to vector<16xf32>
      %add3A_554 = arith.addf %mul3A_551, %add3A_553 : vector<16xf32>
      %mul3A_555 = arith.mulf %add3A_554, %bitcast3A_544 : vector<16xf32>
      %add3A_556 = arith.constant 3.218870e+00 : f32
      %add3A_557 = vector.broadcast %add3A_556 : f32 to vector<16xf32>
      %add3A_558 = arith.addf %mul3A_555, %add3A_557 : vector<16xf32>
      %mul3A_559 = arith.mulf %add3A_558, %bitcast3A_544 : vector<16xf32>
      %add3A_560 = arith.constant -5.26415539 : f32
      %add3A_561 = vector.broadcast %add3A_560 : f32 to vector<16xf32>
      %add3A_562 = arith.addf %mul3A_559, %add3A_561 : vector<16xf32>
      %mul3A_563 = arith.mulf %add3A_562, %bitcast3A_544 : vector<16xf32>
      %add3A_564 = arith.constant 6.06585884 : f32
      %add3A_565 = vector.broadcast %add3A_564 : f32 to vector<16xf32>
      %add3A_566 = arith.addf %mul3A_563, %add3A_565 : vector<16xf32>
      %mul3A_567 = arith.mulf %add3A_566, %bitcast3A_544 : vector<16xf32>
      %add3A_568 = arith.constant -3.02832508 : f32
      %add3A_569 = vector.broadcast %add3A_568 : f32 to vector<16xf32>
      %add3A_570 = arith.addf %mul3A_567, %add3A_569 : vector<16xf32>
      %convert_element_type3A_571 = arith.sitofp %sub3A_537 : vector<16xi32> to vector<16xf32>
      %add3A_572 = arith.addf %convert_element_type3A_571, %add3A_570 : vector<16xf32>
      %mul3A_573 = arith.constant 0.693147182 : f32
      %mul3A_574 = vector.broadcast %mul3A_573 : f32 to vector<16xf32>
      %mul3A_575 = arith.mulf %add3A_572, %mul3A_574 : vector<16xf32>
      %mul3A_576 = arith.mulf %mul3A_575, %select_n3A_11 : vector<16xf32>
      %add3A_577 = arith.addf %broadcast_in_dim3A_510, %mul3A_576 : vector<16xf32>
      %mul3A_578 = arith.mulf %scan3A_515#1, %select_n3A_21 : vector<16xf32>
      %max3A_579 = arith.constant -1.000000e+01 : f32
      %max3A_580 = vector.broadcast %max3A_579 : f32 to vector<16xf32>
      %max3A_581 = arith.maximumf %mul3A_578, %max3A_580 : vector<16xf32>
      %min3A_582 = arith.constant 1.000000e+01 : f32
      %min3A_583 = vector.broadcast %min3A_582 : f32 to vector<16xf32>
      %min3A_584 = arith.minimumf %max3A_581, %min3A_583 : vector<16xf32>
      %neg3A_585 = arith.constant 0.000000e+00 : f32
      %neg3A_586 = vector.broadcast %neg3A_585 : f32 to vector<16xf32>
      %neg3A_587 = arith.subf %neg3A_586, %min3A_584 : vector<16xf32>
      %exp3A_588 = math.exp %neg3A_587 : vector<16xf32>
      %add3A_589 = arith.constant 1.000000e+00 : f32
      %add3A_590 = vector.broadcast %add3A_589 : f32 to vector<16xf32>
      %add3A_591 = arith.addf %add3A_590, %exp3A_588 : vector<16xf32>
      %bitcast3A_592 = vector.bitcast %add3A_591 : vector<16xf32> to vector<16xi32>
      %shift_right_logical3A_593 = arith.constant 23 : i32
      %shift_right_logical3A_594 = vector.broadcast %shift_right_logical3A_593 : i32 to vector<16xi32>
      %shift_right_logical3A_595 = arith.shrui %bitcast3A_592, %shift_right_logical3A_594 : vector<16xi32>
      %sub3A_596 = arith.constant 127 : i32
      %sub3A_597 = vector.broadcast %sub3A_596 : i32 to vector<16xi32>
      %sub3A_598 = arith.subi %shift_right_logical3A_595, %sub3A_597 : vector<16xi32>
      %and3A_599 = arith.constant 8388607 : i32
      %and3A_600 = vector.broadcast %and3A_599 : i32 to vector<16xi32>
      %and3A_601 = arith.andi %bitcast3A_592, %and3A_600 : vector<16xi32>
      %or3A_602 = arith.constant 1065353216 : i32
      %or3A_603 = vector.broadcast %or3A_602 : i32 to vector<16xi32>
      %or3A_604 = arith.ori %and3A_601, %or3A_603 : vector<16xi32>
      %bitcast3A_605 = vector.bitcast %or3A_604 : vector<16xi32> to vector<16xf32>
      %mul3A_606 = arith.constant -0.0248259846 : f32
      %mul3A_607 = vector.broadcast %mul3A_606 : f32 to vector<16xf32>
      %mul3A_608 = arith.mulf %mul3A_607, %bitcast3A_605 : vector<16xf32>
      %add3A_609 = arith.constant 0.26686278 : f32
      %add3A_610 = vector.broadcast %add3A_609 : f32 to vector<16xf32>
      %add3A_611 = arith.addf %mul3A_608, %add3A_610 : vector<16xf32>
      %mul3A_612 = arith.mulf %add3A_611, %bitcast3A_605 : vector<16xf32>
      %add3A_613 = arith.constant -1.23427987 : f32
      %add3A_614 = vector.broadcast %add3A_613 : f32 to vector<16xf32>
      %add3A_615 = arith.addf %mul3A_612, %add3A_614 : vector<16xf32>
      %mul3A_616 = arith.mulf %add3A_615, %bitcast3A_605 : vector<16xf32>
      %add3A_617 = arith.constant 3.218870e+00 : f32
      %add3A_618 = vector.broadcast %add3A_617 : f32 to vector<16xf32>
      %add3A_619 = arith.addf %mul3A_616, %add3A_618 : vector<16xf32>
      %mul3A_620 = arith.mulf %add3A_619, %bitcast3A_605 : vector<16xf32>
      %add3A_621 = arith.constant -5.26415539 : f32
      %add3A_622 = vector.broadcast %add3A_621 : f32 to vector<16xf32>
      %add3A_623 = arith.addf %mul3A_620, %add3A_622 : vector<16xf32>
      %mul3A_624 = arith.mulf %add3A_623, %bitcast3A_605 : vector<16xf32>
      %add3A_625 = arith.constant 6.06585884 : f32
      %add3A_626 = vector.broadcast %add3A_625 : f32 to vector<16xf32>
      %add3A_627 = arith.addf %mul3A_624, %add3A_626 : vector<16xf32>
      %mul3A_628 = arith.mulf %add3A_627, %bitcast3A_605 : vector<16xf32>
      %add3A_629 = arith.constant -3.02832508 : f32
      %add3A_630 = vector.broadcast %add3A_629 : f32 to vector<16xf32>
      %add3A_631 = arith.addf %mul3A_628, %add3A_630 : vector<16xf32>
      %convert_element_type3A_632 = arith.sitofp %sub3A_598 : vector<16xi32> to vector<16xf32>
      %add3A_633 = arith.addf %convert_element_type3A_632, %add3A_631 : vector<16xf32>
      %mul3A_634 = arith.constant 0.693147182 : f32
      %mul3A_635 = vector.broadcast %mul3A_634 : f32 to vector<16xf32>
      %mul3A_636 = arith.mulf %add3A_633, %mul3A_635 : vector<16xf32>
      %mul3A_637 = arith.mulf %mul3A_636, %select_n3A_28 : vector<16xf32>
      %add3A_638 = arith.addf %add3A_577, %mul3A_637 : vector<16xf32>
      %mul3A_639 = arith.mulf %scan3A_515#2, %select_n3A_38 : vector<16xf32>
      %max3A_640 = arith.constant -1.000000e+01 : f32
      %max3A_641 = vector.broadcast %max3A_640 : f32 to vector<16xf32>
      %max3A_642 = arith.maximumf %mul3A_639, %max3A_641 : vector<16xf32>
      %min3A_643 = arith.constant 1.000000e+01 : f32
      %min3A_644 = vector.broadcast %min3A_643 : f32 to vector<16xf32>
      %min3A_645 = arith.minimumf %max3A_642, %min3A_644 : vector<16xf32>
      %neg3A_646 = arith.constant 0.000000e+00 : f32
      %neg3A_647 = vector.broadcast %neg3A_646 : f32 to vector<16xf32>
      %neg3A_648 = arith.subf %neg3A_647, %min3A_645 : vector<16xf32>
      %exp3A_649 = math.exp %neg3A_648 : vector<16xf32>
      %add3A_650 = arith.constant 1.000000e+00 : f32
      %add3A_651 = vector.broadcast %add3A_650 : f32 to vector<16xf32>
      %add3A_652 = arith.addf %add3A_651, %exp3A_649 : vector<16xf32>
      %bitcast3A_653 = vector.bitcast %add3A_652 : vector<16xf32> to vector<16xi32>
      %shift_right_logical3A_654 = arith.constant 23 : i32
      %shift_right_logical3A_655 = vector.broadcast %shift_right_logical3A_654 : i32 to vector<16xi32>
      %shift_right_logical3A_656 = arith.shrui %bitcast3A_653, %shift_right_logical3A_655 : vector<16xi32>
      %sub3A_657 = arith.constant 127 : i32
      %sub3A_658 = vector.broadcast %sub3A_657 : i32 to vector<16xi32>
      %sub3A_659 = arith.subi %shift_right_logical3A_656, %sub3A_658 : vector<16xi32>
      %and3A_660 = arith.constant 8388607 : i32
      %and3A_661 = vector.broadcast %and3A_660 : i32 to vector<16xi32>
      %and3A_662 = arith.andi %bitcast3A_653, %and3A_661 : vector<16xi32>
      %or3A_663 = arith.constant 1065353216 : i32
      %or3A_664 = vector.broadcast %or3A_663 : i32 to vector<16xi32>
      %or3A_665 = arith.ori %and3A_662, %or3A_664 : vector<16xi32>
      %bitcast3A_666 = vector.bitcast %or3A_665 : vector<16xi32> to vector<16xf32>
      %mul3A_667 = arith.constant -0.0248259846 : f32
      %mul3A_668 = vector.broadcast %mul3A_667 : f32 to vector<16xf32>
      %mul3A_669 = arith.mulf %mul3A_668, %bitcast3A_666 : vector<16xf32>
      %add3A_670 = arith.constant 0.26686278 : f32
      %add3A_671 = vector.broadcast %add3A_670 : f32 to vector<16xf32>
      %add3A_672 = arith.addf %mul3A_669, %add3A_671 : vector<16xf32>
      %mul3A_673 = arith.mulf %add3A_672, %bitcast3A_666 : vector<16xf32>
      %add3A_674 = arith.constant -1.23427987 : f32
      %add3A_675 = vector.broadcast %add3A_674 : f32 to vector<16xf32>
      %add3A_676 = arith.addf %mul3A_673, %add3A_675 : vector<16xf32>
      %mul3A_677 = arith.mulf %add3A_676, %bitcast3A_666 : vector<16xf32>
      %add3A_678 = arith.constant 3.218870e+00 : f32
      %add3A_679 = vector.broadcast %add3A_678 : f32 to vector<16xf32>
      %add3A_680 = arith.addf %mul3A_677, %add3A_679 : vector<16xf32>
      %mul3A_681 = arith.mulf %add3A_680, %bitcast3A_666 : vector<16xf32>
      %add3A_682 = arith.constant -5.26415539 : f32
      %add3A_683 = vector.broadcast %add3A_682 : f32 to vector<16xf32>
      %add3A_684 = arith.addf %mul3A_681, %add3A_683 : vector<16xf32>
      %mul3A_685 = arith.mulf %add3A_684, %bitcast3A_666 : vector<16xf32>
      %add3A_686 = arith.constant 6.06585884 : f32
      %add3A_687 = vector.broadcast %add3A_686 : f32 to vector<16xf32>
      %add3A_688 = arith.addf %mul3A_685, %add3A_687 : vector<16xf32>
      %mul3A_689 = arith.mulf %add3A_688, %bitcast3A_666 : vector<16xf32>
      %add3A_690 = arith.constant -3.02832508 : f32
      %add3A_691 = vector.broadcast %add3A_690 : f32 to vector<16xf32>
      %add3A_692 = arith.addf %mul3A_689, %add3A_691 : vector<16xf32>
      %convert_element_type3A_693 = arith.sitofp %sub3A_659 : vector<16xi32> to vector<16xf32>
      %add3A_694 = arith.addf %convert_element_type3A_693, %add3A_692 : vector<16xf32>
      %mul3A_695 = arith.constant 0.693147182 : f32
      %mul3A_696 = vector.broadcast %mul3A_695 : f32 to vector<16xf32>
      %mul3A_697 = arith.mulf %add3A_694, %mul3A_696 : vector<16xf32>
      %mul3A_698 = arith.mulf %mul3A_697, %select_n3A_45 : vector<16xf32>
      %add3A_699 = arith.addf %add3A_638, %mul3A_698 : vector<16xf32>
      %mul3A_700 = arith.mulf %scan3A_515#3, %select_n3A_55 : vector<16xf32>
      %max3A_701 = arith.constant -1.000000e+01 : f32
      %max3A_702 = vector.broadcast %max3A_701 : f32 to vector<16xf32>
      %max3A_703 = arith.maximumf %mul3A_700, %max3A_702 : vector<16xf32>
      %min3A_704 = arith.constant 1.000000e+01 : f32
      %min3A_705 = vector.broadcast %min3A_704 : f32 to vector<16xf32>
      %min3A_706 = arith.minimumf %max3A_703, %min3A_705 : vector<16xf32>
      %neg3A_707 = arith.constant 0.000000e+00 : f32
      %neg3A_708 = vector.broadcast %neg3A_707 : f32 to vector<16xf32>
      %neg3A_709 = arith.subf %neg3A_708, %min3A_706 : vector<16xf32>
      %exp3A_710 = math.exp %neg3A_709 : vector<16xf32>
      %add3A_711 = arith.constant 1.000000e+00 : f32
      %add3A_712 = vector.broadcast %add3A_711 : f32 to vector<16xf32>
      %add3A_713 = arith.addf %add3A_712, %exp3A_710 : vector<16xf32>
      %bitcast3A_714 = vector.bitcast %add3A_713 : vector<16xf32> to vector<16xi32>
      %shift_right_logical3A_715 = arith.constant 23 : i32
      %shift_right_logical3A_716 = vector.broadcast %shift_right_logical3A_715 : i32 to vector<16xi32>
      %shift_right_logical3A_717 = arith.shrui %bitcast3A_714, %shift_right_logical3A_716 : vector<16xi32>
      %sub3A_718 = arith.constant 127 : i32
      %sub3A_719 = vector.broadcast %sub3A_718 : i32 to vector<16xi32>
      %sub3A_720 = arith.subi %shift_right_logical3A_717, %sub3A_719 : vector<16xi32>
      %and3A_721 = arith.constant 8388607 : i32
      %and3A_722 = vector.broadcast %and3A_721 : i32 to vector<16xi32>
      %and3A_723 = arith.andi %bitcast3A_714, %and3A_722 : vector<16xi32>
      %or3A_724 = arith.constant 1065353216 : i32
      %or3A_725 = vector.broadcast %or3A_724 : i32 to vector<16xi32>
      %or3A_726 = arith.ori %and3A_723, %or3A_725 : vector<16xi32>
      %bitcast3A_727 = vector.bitcast %or3A_726 : vector<16xi32> to vector<16xf32>
      %mul3A_728 = arith.constant -0.0248259846 : f32
      %mul3A_729 = vector.broadcast %mul3A_728 : f32 to vector<16xf32>
      %mul3A_730 = arith.mulf %mul3A_729, %bitcast3A_727 : vector<16xf32>
      %add3A_731 = arith.constant 0.26686278 : f32
      %add3A_732 = vector.broadcast %add3A_731 : f32 to vector<16xf32>
      %add3A_733 = arith.addf %mul3A_730, %add3A_732 : vector<16xf32>
      %mul3A_734 = arith.mulf %add3A_733, %bitcast3A_727 : vector<16xf32>
      %add3A_735 = arith.constant -1.23427987 : f32
      %add3A_736 = vector.broadcast %add3A_735 : f32 to vector<16xf32>
      %add3A_737 = arith.addf %mul3A_734, %add3A_736 : vector<16xf32>
      %mul3A_738 = arith.mulf %add3A_737, %bitcast3A_727 : vector<16xf32>
      %add3A_739 = arith.constant 3.218870e+00 : f32
      %add3A_740 = vector.broadcast %add3A_739 : f32 to vector<16xf32>
      %add3A_741 = arith.addf %mul3A_738, %add3A_740 : vector<16xf32>
      %mul3A_742 = arith.mulf %add3A_741, %bitcast3A_727 : vector<16xf32>
      %add3A_743 = arith.constant -5.26415539 : f32
      %add3A_744 = vector.broadcast %add3A_743 : f32 to vector<16xf32>
      %add3A_745 = arith.addf %mul3A_742, %add3A_744 : vector<16xf32>
      %mul3A_746 = arith.mulf %add3A_745, %bitcast3A_727 : vector<16xf32>
      %add3A_747 = arith.constant 6.06585884 : f32
      %add3A_748 = vector.broadcast %add3A_747 : f32 to vector<16xf32>
      %add3A_749 = arith.addf %mul3A_746, %add3A_748 : vector<16xf32>
      %mul3A_750 = arith.mulf %add3A_749, %bitcast3A_727 : vector<16xf32>
      %add3A_751 = arith.constant -3.02832508 : f32
      %add3A_752 = vector.broadcast %add3A_751 : f32 to vector<16xf32>
      %add3A_753 = arith.addf %mul3A_750, %add3A_752 : vector<16xf32>
      %convert_element_type3A_754 = arith.sitofp %sub3A_720 : vector<16xi32> to vector<16xf32>
      %add3A_755 = arith.addf %convert_element_type3A_754, %add3A_753 : vector<16xf32>
      %mul3A_756 = arith.constant 0.693147182 : f32
      %mul3A_757 = vector.broadcast %mul3A_756 : f32 to vector<16xf32>
      %mul3A_758 = arith.mulf %add3A_755, %mul3A_757 : vector<16xf32>
      %mul3A_759 = arith.mulf %mul3A_758, %select_n3A_62 : vector<16xf32>
      %add3A_760 = arith.addf %add3A_699, %mul3A_759 : vector<16xf32>
      %broadcast_in_dim3A_761 = arith.constant true
      %broadcast_in_dim3A_762 = vector.broadcast %broadcast_in_dim3A_761 : i1 to vector<16xi1>
      %masked_cumsum3A_763 = tpu.scan <sum>, %add3A_760 masked %broadcast_in_dim3A_762 : vector<16xf32>, vector<16xi1> -> vector<16xf32>
      %mul3A_764 = arith.constant 2 : i32
      %mul3A_765 = arith.muli %scan3A_75, %mul3A_764 : i32
      %add3A_766 = arith.constant 1 : i32
      %add3A_767 = arith.addi %mul3A_765, %add3A_766 : i32
      %broadcast_in_dim3A_768 = vector.broadcast %add3A_767 : i32 to vector<16xi32>
      %eq3A_769 = arith.constant 15 : i32
      %eq3A_770 = vector.broadcast %eq3A_769 : i32 to vector<16xi32>
      %eq3A_771 = arith.cmpi eq, %iota3A, %eq3A_770 : vector<16xi32>
      tpu.vector_store_idx %arg8[%broadcast_in_dim3A_768], %masked_cumsum3A_763 masked %eq3A_771 : memref<512xf32, #tpu.memory_space<vmem>>[vector<16xi32>], vector<16xf32>, vector<16xi1>
    }
    %scan3A_72 = arith.constant 256 : i32
    %mul3A_73 = arith.constant 512 : i32
    %mul3A_74 = arith.muli %add3A_65, %mul3A_73 : i32
    "tpu.region"() ({
      %run_scoped3A = tpu.sem_alloc : memref<!tpu.dma_semaphore, #tpu.memory_space<semaphore_mem>>
      %dma_start3A = tpu.memref_slice %arg4[%mul3A_74] : memref<16384xf32, #tpu.memory_space<hbm>> -> memref<512xf32, #tpu.memory_space<hbm>>
      %dma_start3A_75 = tpu.memref_slice %arg4[%mul3A_74] : memref<16384xf32, #tpu.memory_space<hbm>> -> memref<512xf32, #tpu.memory_space<hbm>>
      tpu.enqueue_dma source(%arg8 : memref<512xf32, #tpu.memory_space<vmem>>) target(%dma_start3A_75 : memref<512xf32, #tpu.memory_space<hbm>>) target_semaphore(%run_scoped3A : memref<!tpu.dma_semaphore, #tpu.memory_space<semaphore_mem>>)
      %dma_wait3A = tpu.memref_slice %arg4[%mul3A_74] : memref<16384xf32, #tpu.memory_space<hbm>> -> memref<512xf32, #tpu.memory_space<hbm>>
      %dma_wait3A_76 = tpu.memref_slice %arg4[%mul3A_74] : memref<16384xf32, #tpu.memory_space<hbm>> -> memref<512xf32, #tpu.memory_space<hbm>>
      tpu.wait_dma2 semaphore(%run_scoped3A : memref<!tpu.dma_semaphore, #tpu.memory_space<semaphore_mem>>) src(%arg8 : memref<512xf32, #tpu.memory_space<vmem>>) dst(%dma_wait3A_76 : memref<512xf32, #tpu.memory_space<hbm>>)
      tpu.yield
    }) : () -> ()
    return
  }
}

</mosaic_0001>

<sc_bundles>
// kernel: kernel.3.cloned.1.call-start
scs
__scs_entry_jumppad:
0x0: {  	(pc) =	sbr.rel $0x88, $3  }
0x1: {  	(tag) =	ssettag $0x0;
	lr =	simm.s32 $0x1  }
0x2: {  	[smem:$0x3F9D] =	sst lr;
	_ =	strace $0xD0000000  }
0x3: {  	_ = 	snop  }
0x4: {  	_ = 	snop  }
0x5: {  	_ = 	snop  }
0x6: {  	_ = 	snop  }
0x7: {  	_ = 	snop  }
__scs_overlays_trampoline_lowered:
0x8: {  	[smem:$0x3FAC] =	sst s0  }
0x9: {  	[smem:$0x3FAD] =	sst s1  }
0xa: {  	[smem:$0x3FAE] =	sst s2  }
0xb: {  	[smem:$0x3FAF] =	sst s3  }
0xc: {  	[smem:$0x3FB0] =	sst s4  }
0xd: {  	[smem:$0x3FB1] =	sst s5  }
0xe: {  	[smem:$0x3FB2] =	sst s6  }
0xf: {  	[smem:$0x3FB3] =	sst s7  }
0x10: {  	[smem:$0x3FB4] =	sst s8  }
0x11: {  	[smem:$0x3FB5] =	sst s9;
	s0 =	simm.s32 @!p0 $0x0  }
0x12: {  	s1 =	sld [smem:$0x3F9B];
	s0 =	simm.s32 @p0 $0x1  }
0x13: {  	[smem:$0x3FB6] =	sst s0;
	s0 =	simm.s32 @!p1 $0x0  }
0x14: {  	s2 =	sld [smem:$0x3F9A];
	s0 =	simm.s32 @p1 $0x1  }
0x15: {  	[smem:$0x3FB7] =	sst s0;
	s0 =	simm.s32 @!p2 $0x0  }
0x16: {  	s3 =	sld [smem:$0x3FDB];
	s0 =	simm.s32 @p2 $0x1  }
0x17: {  	s4 =	simm.s32 $0x1BF5;
	[smem:$0x3FB9] =	sst s0  }
0x18: {  	s0 =	sld [smem:$0x3F9C];
	_ =	swait.ge [sflag:s4], $0x0  }
0x19: {  	s7 =	sld [smem:$0x3F9D]  }
0x1a: {  	s8 =	sadd.s32 $0xFFFFE003, lr  }
0x1b: {  	s9 =	sadd.s32 $0xFFFFFEF7, lr;
	s5 =	simm.s32 $0xFFFFFFFF;
	p2 =	slt.u32 s8, $0xFFFFF086  }
0x1c: {  	p1 =	slt.u32 s9, $0xF7A;
	s5 =	simm.s32 @!p2 $0x0  }
0x1d: {  	s5 =	simm.s32 @p1 $0x1;
	p0 =	seq.s32 s7, s2  }
0x1e: {  	s7 =	smul.u32 @!p0 $0xF7A, s2;
	p2 =	seq.s32 @!p0 s5, $0x0  }
0x1f: {  	s9 =	smul.u32 $0xF7A, s1;
	s8 =	simm.s32 @!p0 $0x1BF5;
	p2 =	por !p2, p0  }
0x20: {  	[sflag:s8] =	ssyncset.s32 @!p0 $0xFFFFF086;
	s6 =	sadd.s32 @!p0 s3, s7;
	s7 =	simm.s32 @!p0 $0x108  }
0x21: {  	s3 =	sadd.s32 s3, s9;
	s6 =	sadd.s32 @!p0 $0x88, s6;
	s7 =	simm.s32 @p2 $0x1082  }
0x22: {  	[simem:s7], [sflag:s8] =	dma.local @!p0 [hbm:s6], $0xF7A  }
0x23: {  	s9 =	sor.u32 $0xD0000000, s2;
	s6 =	simm.s32 $0x108;
	_ =	swait.ge @!p0 [sflag:s8], $0x0  }
0x24: {  	s3 =	sadd.s32 $0x88, s3;
	s6 =	simm.s32 @!p1 $0x1082;
	[sflag:s4] =	ssyncset.s32 $0xFFFFF086  }
0x25: {  	[simem:s6], [sflag:s4] =	dma.local [hbm:s3], $0xF7A  }
0x26: {  	[smem:$0x3F9D] =	sst s1;
	(tag) =	ssettag s2;
	_ =	strace s9  }
0x27: {  	s1 =	sld [smem:$0x3FAD]  }
0x28: {  	s2 =	sld [smem:$0x3FAE]  }
0x29: {  	s4 =	sld [smem:$0x3FB0]  }
0x2a: {  	p0 =	seq.s32 s5, $0x0;
	s5 =	sld [smem:$0x3FB1]  }
0x2b: {  	s6 =	sld [smem:$0x3FB2]  }
0x2c: {  	s7 =	sld [smem:$0x3FB3]  }
0x2d: {  	s3 =	simm.s32 $0x108;
	s8 =	sld [smem:$0x3FB4]  }
0x2e: {  	s3 =	simm.s32 @!p0 $0x1082;
	s9 =	sld [smem:$0x3FB5]  }
0x2f: {  	lr =	sadd.s32 s0, s3;
	s0 =	sld [smem:$0x3FAC]  }
0x30: {  	s3 =	sld [smem:$0x3FAF]  }
0x31: {  	[smem:$0x3FB8] =	sst s10  }
0x32: {  	s10 =	sld [smem:$0x3FB6];
	_ =	sdelay $0x3  }
0x33: {  	p0 =	seq.s32 s10, $0x1;
	s10 =	sld [smem:$0x3FB8];
	_ =	sdelay $0x3  }
0x34: {  	[smem:$0x3FB8] =	sst s10  }
0x35: {  	s10 =	sld [smem:$0x3FB7];
	_ =	sdelay $0x3  }
0x36: {  	p1 =	seq.s32 s10, $0x1;
	s10 =	sld [smem:$0x3FB8];
	_ =	sdelay $0x3  }
0x37: {  	[smem:$0x3FB8] =	sst s10  }
0x38: {  	s10 =	sld [smem:$0x3FB9]  }
0x39: {  	_ = 	snop;
	(pc) =	sbr.ind lr, $3  }
0x3a: {  	_ = 	snop  }
0x3b: {  	_ = 	snop  }
0x3c: {  	p2 =	seq.s32 s10, $0x1;
	s10 =	sld [smem:$0x3FB8]  }
0x3d: {  	_ =	shalt  }
0x3e: {  	_ =	shalt  }
0x3f: {  	_ =	shalt  }
0x40: {  	_ =	shalt  }
0x41: {  	_ =	shalt  }
0x42: {  	_ =	shalt  }
0x43: {  	_ =	shalt  }
0x44: {  	_ =	shalt  }
0x45: {  	_ =	shalt  }
0x46: {  	_ =	shalt  }
0x47: {  	_ =	shalt  }
0x48: {  	_ =	shalt  }
0x49: {  	_ =	shalt  }
0x4a: {  	_ =	shalt  }
0x4b: {  	_ =	shalt  }
0x4c: {  	_ =	shalt  }
0x4d: {  	_ =	shalt  }
0x4e: {  	_ =	shalt  }
0x4f: {  	_ =	shalt  }
0x50: {  	_ =	shalt  }
0x51: {  	_ =	shalt  }
0x52: {  	_ =	shalt  }
0x53: {  	_ =	shalt  }
0x54: {  	_ =	shalt  }
0x55: {  	_ =	shalt  }
0x56: {  	_ =	shalt  }
0x57: {  	_ =	shalt  }
0x58: {  	_ =	shalt  }
0x59: {  	_ =	shalt  }
0x5a: {  	_ =	shalt  }
0x5b: {  	_ =	shalt  }
0x5c: {  	_ =	shalt  }
0x5d: {  	_ =	shalt  }
0x5e: {  	_ =	shalt  }
0x5f: {  	_ =	shalt  }
0x60: {  	_ =	shalt  }
0x61: {  	_ =	shalt  }
0x62: {  	_ =	shalt  }
0x63: {  	_ =	shalt  }
0x64: {  	_ =	shalt  }
0x65: {  	_ =	shalt  }
0x66: {  	_ =	shalt  }
0x67: {  	_ =	shalt  }
0x68: {  	_ =	shalt  }
0x69: {  	_ =	shalt  }
0x6a: {  	_ =	shalt  }
0x6b: {  	_ =	shalt  }
0x6c: {  	_ =	shalt  }
0x6d: {  	_ =	shalt  }
0x6e: {  	_ =	shalt  }
0x6f: {  	_ =	shalt  }
0x70: {  	_ =	shalt  }
0x71: {  	_ =	shalt  }
0x72: {  	_ =	shalt  }
0x73: {  	_ =	shalt  }
0x74: {  	_ =	shalt  }
0x75: {  	_ =	shalt  }
0x76: {  	_ =	shalt  }
0x77: {  	_ =	shalt  }
0x78: {  	_ =	shalt  }
0x79: {  	_ =	shalt  }
0x7a: {  	_ =	shalt  }
0x7b: {  	_ =	shalt  }
0x7c: {  	_ =	shalt  }
0x7d: {  	_ =	shalt  }
0x7e: {  	_ =	shalt  }
0x7f: {  	_ =	shalt  }
0x80: {  	_ =	shalt  }
0x81: {  	_ =	shalt  }
0x82: {  	_ =	shalt  }
0x83: {  	_ =	shalt  }
0x84: {  	_ =	shalt  }
0x85: {  	_ =	shalt  }
0x86: {  	_ =	shalt  }
0x87: {  	_ =	shalt  }
.Lfunc_end0:
.L_simem_size_0:
called_computation_lowered:
.L_overlay_start_0:
0x88: {  	s2 =	sld [smem:$0x3FD9]  }
0x89: {  	s3 =	sld [smem:$0x3FFE];
	_ =	sdelay $0x1  }
0x8a: {  	s1 =	srdreg.scid  }
0x8b: {  	s0 =	sand.u32 $0x1, s1  }
0x8c: {  	s17 =	sshll.u32 s0, $0xA;
	s2 =	sadd.s32 s3, s2  }
0x8d: {  	s2 =	sadd.s32 s2, s17  }
0x8e: {  	[smem:$0x3FC4] =	sst s2  }
0x8f: {  	_ = 	snop  }
0x90: {  	s2 =	sld [smem:$0x3FD0];
	(tm) =	ssettm $0x1  }
0x91: {  	s18 =	sld [smem:$0x3FFB];
	_ =	sdelay $0x3  }
0x92: {  	_ =	strace s18  }
0x93: {  	s3 =	sld [smem:$0x3FFC];
	_ =	sdelay $0x3  }
0x94: {  	_ =	strace s3  }
0x95: {  	s3 =	sld [smem:$0x3FFD];
	_ =	sdelay $0x3  }
0x96: {  	_ =	strace s3  }
0x97: {  	_ =	strace $0x8FFFFFFF  }
0x98: {  	s19 =	sld [smem:$0x3FDB];
	_ =	sdelay $0x1  }
0x99: {  	s4 =	simm.s32 $_scs_section_size  }
0x9a: {  	s5 =	simm.s32 $_size__tile_overlayer_lowered;
	s6 =	simm.s32 $_tile_overlayer_lowered  }
0x9b: {  	s22 =	simm.s32 $0x1BFF;
	s21 =	sshll.u32 s6, $0x1;
	s3 =	sadd.s32 s4, s19  }
0x9c: {  	s7 =	simm.s32 $0x0;
	s20 =	sshll.u32 s5, $0x1;
	s5 =	sadd.s32 s21, s3  }
0x9d: {  	[timem:s7], [sflag:s22] =	dma.local [hbm:s5], s20  }
0x9e: {  	_ =	swait.ge [sflag:s22], s20  }
0x9f: {  	s4 =	ssub.s32 $0x0, s20;
	[sflag:s22] =	ssyncset.done $0x0  }
0xa0: {  	[sflag:s22] =	ssyncadd.s32 s4;
	_ =	sdelay $0x1  }
0xa1: {  	s23 =	simm.s32 $0x1B8B  }
0xa2: {  	_ =	swait.ge [sflag:s23], $0x1  }
0xa3: {  	[sflag:s23] =	ssyncset.done $0x0  }
0xa4: {  	s25 =	simm.s32 $0x1B8E;
	s24 =	sld [smem:$0x3FFE];
	[sflag:s23] =	ssyncadd.s32 $0xFFFFFFFF  }
0xa5: {  	s26 =	simm.s32 $execute0_lowered;
	[smem:$0x3FD2] =	sst s25  }
0xa6: {  	s5 =	sshll.u32 s26, $0x1;
	_ =	strace $0x80000046;
	[dreg:$0x1] =	wrdreg $0xFFFFFFFF  }
0xa7: {  	s28 =	simm.s32 $_size_execute0_lowered;
	s3 =	sadd.s32 s3, s5;
	[dreg:$0x0] =	wrdreg $0x0  }
0xa8: {  	s5 =	sshll.u32 s28, $0x1;
	[dreg:$0x2] =	wrdreg s3  }
0xa9: {  	[dreg:$0x3] =	wrdreg s5  }
0xaa: {  	[dreg:$0x4] =	wrdreg $0xC0  }
0xab: {  	_ =	task [dreg:s7], $0x5FFFF  }
0xac: {  	[dreg:$0x1] =	wrdreg $0xFFFFFFFF  }
0xad: {  	[dreg:$0x0] =	wrdreg $0x60  }
0xae: {  	[dreg:$0x2] =	wrdreg s24  }
0xaf: {  	[dreg:$0x3] =	wrdreg s2  }
0xb0: {  	[dreg:$0x4] =	wrdreg $0x9  }
0xb1: {  	_ =	task.clear_ibuf [dreg:s7], $0x5FFFF;
	_ =	strace $0x90000046  }
0xb2: {  	s29 =	simm.s32 $0x9;
	_ =	strace $0x80000048  }
0xb3: {  	_ =	swait.ge [sflag:s29], $0x1  }
0xb4: {  	[sflag:s29] =	ssyncadd.s32 $0xFFFFFFFF  }
0xb5: {  	_ =	strace $0x90000048  }
0xb6: {  	_ =	sfence  }
0xb7: {  	s30 =	sld [smem:$0x0];
	_ =	sdelay $0x2  }
0xb8: {  	s31 =	sshll.u32 s1, $0xD;
	s1 =	sshrl.u32 s1, $0x2  }
0xb9: {  	s3 =	sand.u32 $0x4000, s31;
	s1 =	sadd.s32 s1, s30  }
0xba: {  	s0 =	sor.u32 s3, s0;
	s1 =	sshll.u32 s1, $0x11  }
0xbb: {  	s0 =	sor.u32 s1, s0  }
0xbc: {  	s0 =	sadd.s32 $0x8F2B, s0  }
0xbd: {  	[sflag:s0] =	ssyncadd.remote.s32 $0x1  }
0xbe: {  	_ =	sfence.sel $0xFFFF  }
0xbf: {  	[dreg:$0x0] =	wrdreg $0xFFFFFFFF;
	(pc) =	sbr.abs _section_cstart, $3  }
0xc0: {  	[dreg:$0x1] =	wrdreg $0xFFFFFFFF  }
0xc1: {  	_ =	task.clear_ibuf [dreg:s7], $0x2FFFF;
	_ =	strace $0x9FFFFFFF  }
0xc2: {  	(tm) =	ssettm $0x7FFFFFFF  }
0xc3: {  	_ =	shalt  }
tec
execute0_lowered:
.L_overlay_start_1:
0x0: {  	(tag) =	ssettag $0x1  }
0x1: {  	v0 =	vimm.s32 $0x1FC0;
	vm0 =	vcmask $0x300;
	v1 =	vlaneseq.u32  }
0x2: {  	v5 =	vimm.f32 $-1.000000000e+00;
	v0 =	vsel vm0, $0x1C40, v0;
	vm0 =	vcmask $0x704  }
0x3: {  	vm1 =	vcmask $0x2700;
	v0 =	vsel vm0, $0x1C80, v0;
	vm0 =	vcmask $0xB08  }
0x4: {  	vm2 =	vcmask $0x3330;
	v0 =	vsel vm0, $0x1CC0, v0;
	vm0 =	vcmask $0xF0C  }
0x5: {  	s4 =	rddreg [dreg:$0x0];
	v8 =	vmul.u32 $0x40, v1;
	v1 =	vsel vm0, $0x1D00, v0;
	vm0 =	vcmask $0x1310  }
0x6: {  	s5 =	rddreg [dreg:$0x1];
	v9 =	vimm.f32 $0.0e+00;
	v2 =	vsel vm0, $0x1D40, v1;
	vm0 =	vcmask $0x1714  }
0x7: {  	s0 =	rddreg [dreg:$0x2];
	s3 =	srdreg.scid;
	v7 =	vadd.s32 $0x1440, v8;
	v3 =	vsel vm0, $0x1D80, v2;
	vm0 =	vcmask $0x1B18  }
0x8: {  	s1 =	stileid.u32;
	s2 =	simm.s32 $0x0;
	s9 =	simm.s32 $0x8000;
	v0 =	vadd.s32 $0x40, v8;
	v4 =	vsel vm0, $0x1DC0, v3;
	vm0 =	vcmask $0x1F1C  }
0x9: {  	s10 =	simm.s32 $0x1;
	s11 =	simm.s32 $0xA000;
	s12 =	simm.s32 $0xA040;
	v1 =	vadd.s32 $0x440, v8;
	v4 =	vsel vm0, $0x1E00, v4;
	vm0 =	vcmask $0x2320  }
0xa: {  	s3 =	sand.u32 $0x1, s3;
	s6 =	sshll.u32 s1, $0x1;
	[smem:$0x7FF] =	sst s2;
	v2 =	vadd.s32 $0x840, v8;
	v4 =	vsel vm0, $0x1E40, v4;
	vm0 =	vcmask $0x2724  }
0xb: {  	s13 =	simm.s32 $0x0;
	s6 =	sor.u32 s3, s6;
	_ =	strace $0x80000047;
	v3 =	vadd.s32 $0xC40, v8;
	v6 =	vsel vm0, $0x1E80, v4;
	vm0 =	vcmask $0x2B28  }
0xc: {  	s8 =	ssub.s32 $0x2, s3;
	s3 =	sadd.s32 $0xF42E00, s4;
	s7 =	sshll.u32 s6, $0xC;
	v4 =	vsel vm1, $0x3F800000, v5;
	vm1 =	vcmask $0x2F2C;
	v5 =	vsel vm0, $0x1EC0, v6  }
0xd: {  	s31 =	sshrl.u32 s8, $0x1;
	s6 =	sshll.u32 s6, $0x6;
	s4 =	sadd.s32 s7, s4;
	vm0 =	vcmask $0x2F00;
	v5 =	vsel vm1, $0x1F00, v5;
	vm1 =	vcmask $0x3F3C  }
0xe: {  	s7 =	ssub.s32 s8, s31;
	s5 =	sadd.s32 s5, s6;
	s8 =	simm.s32 $0x80;
	v9 =	vsel vm0, $0x3F800000, v9;
	v6 =	vsel vm2, $0x1F40, v5;
	vm2 =	vcmask $0x3734  }
0xf: {  	s4 =	sadd.s32 $0xA00, s4;
	s6 =	smax.u32 s7, $0x1;
	s7 =	simm.s32 $0x2;
	v5 =	vadd.s32 $0x1040, v8;
	v8 =	vadd.s32 $0x1840, v8;
	v6 =	vsel vm2, $0x1F80, v6  }
.LBB2_1:
0x10: {  	[tilespmem:s2], [sflag:$0x2] =	stream.linear.gather [hbm4b:s4+s2], $0x8000, $0x38;
	[tilespmem:$0xA240] =	vst v63  }
0x11: {  	_ =	swait.ge [sflag:s7], $0x8000  }
0x12: {  	[sflag:s7] =	ssyncset.done $0x0  }
0x13: {  	s14 =	simm.s32 $0x0;
	[sflag:s7] =	ssyncadd.s32 $0xFFFF8000  }
.LBB2_2:
0x14: {  	s15 =	sshll.u32 s14, $0x7  }
0x15: {  	s15 =	sand.u32 $0x3FFFFF80, s15  }
0x16: {  	[tilespmem:s9], [sflag:$0x1] =	stream.indirect.gather [hbm4b:s3+s8], $0x40, s15, s8, $0xb8;
	[tilespmem:$0xA240] =	vst v63  }
0x17: {  	_ =	swait.ge [sflag:s10], $0x2000  }
0x18: {  	[sflag:s10] =	ssyncset.done $0x0  }
0x19: {  	[sflag:s10] =	ssyncadd.s32 $0xFFFFE000  }
0x1a: {  	v10 =	vld [tilespmem:$0x8000];
	_ =	sdelay $0x4  }
0x1b: {  	v10 =	vsub.f32 $0.0e+00, v10;
	_ =	sdelay $0x1  }
0x1c: {  	v10 =	vmul.f32 $1.442695020e+00, v10;
	_ =	sdelay $0x1  }
0x1d: {  	(erf) = vpow2.f32 v10;
	_ =	sdelay $0x3  }
0x1e: {  	v10 =	vld [tilespmem:$0x8010];
	_ =	sdelay $0x4  }
0x1f: {  	v10 =	vsub.f32 $0.0e+00, v10;
	v11 =	vpop (erf)  }
0x20: {  	v11 =	vadd.f32 $1.000000000e+00, v11  }
0x21: {  	v10 =	vmul.f32 $1.442695020e+00, v10  }
0x22: {  	(erf) = vrcp.f32 v11  }
0x23: {  	(erf) = vpow2.f32 v10;
	_ =	sdelay $0x3  }
0x24: {  	v10 =	vld [tilespmem:$0x8020];
	_ =	sdelay $0x3  }
0x25: {  	v11 =	vpop (erf)  }
0x26: {  	v10 =	vsub.f32 $0.0e+00, v10;
	v12 =	vpop (erf)  }
0x27: {  	v12 =	vadd.f32 $1.000000000e+00, v12  }
0x28: {  	v10 =	vmul.f32 $1.442695020e+00, v10  }
0x29: {  	(erf) = vrcp.f32 v12  }
0x2a: {  	(erf) = vpow2.f32 v10;
	_ =	sdelay $0x3  }
0x2b: {  	v10 =	vld [tilespmem:$0x8030];
	_ =	sdelay $0x3  }
0x2c: {  	v12 =	vpop (erf)  }
0x2d: {  	v10 =	vsub.f32 $0.0e+00, v10;
	v13 =	vpop (erf)  }
0x2e: {  	v13 =	vadd.f32 $1.000000000e+00, v13  }
0x2f: {  	v10 =	vmul.f32 $1.442695020e+00, v10  }
0x30: {  	(erf) = vrcp.f32 v13  }
0x31: {  	(erf) = vpow2.f32 v10;
	_ =	sdelay $0x7  }
0x32: {  	v10 =	vpop (erf)  }
0x33: {  	v13 =	vpop (erf)  }
0x34: {  	v13 =	vadd.f32 $1.000000000e+00, v13;
	_ =	sdelay $0x1  }
0x35: {  	(erf) = vrcp.f32 v13;
	_ =	sdelay $0x4  }
0x36: {  	s25 =	simm.s32 $0x0  }
0x37: {  	s16 =	simm.s32 $0x3;
	v13 =	vmov s25  }
0x38: {  	s26 =	simm.s32 $0x2;
	[tilespmem:$0xA000] =	vst v11;
	v11 =	vmov s16  }
0x39: {  	s28 =	simm.s32 $0x1;
	[tilespmem:$0xA010] =	vst v12;
	v12 =	vmov s26  }
0x3a: {  	v14 =	vmov s28;
	[tilespmem:$0xA020] =	vst v10;
	v15 =	vand.u32 $0x3C, v13;
	v10 =	vpop (erf)  }
0x3b: {  	v18 =	vand.u32 $0x3F, v11;
	v16 =	vor.u32 v1, v15;
	[tilespmem:$0xA030] =	vst v10  }
0x3c: {  	v19 =	vor.u32 v1, v18;
	v17 =	vld.idx.msk [tilespmem:v13+s11+$0x0], $0xffff  }
0x3d: {  	v38 =	vor.u32 v2, v18;
	v20 =	vld.idx.msk [tilespmem:v11+s11+$0x0], $0xffff  }
0x3e: {  	v10 =	vor.u32 v0, v15;
	v22 =	vld.idx.msk [tilespmem:v12+s11+$0x0], $0xffff  }
0x3f: {  	v13 =	vor.u32 v2, v15;
	v23 =	vld.idx.msk [tilespmem:v14+s11+$0x0], $0xffff  }
0x40: {  	v11 =	vor.u32 v3, v15;
	v16 =	vld.idx.msk [tilespmem:v16+s9+$0x0], $0xffff  }
0x41: {  	v15 =	vor.u32 v0, v18;
	v14 =	vand.u32 $0x3D, v14;
	v30 =	vld.idx.msk [tilespmem:v19+s9+$0x0], $0xffff  }
0x42: {  	v61 =	vld.idx.msk [tilespmem:v38+s9+$0x0], $0xffff;
	v26 =	vor.u32 v0, v14  }
0x43: {  	v27 =	vor.u32 v1, v14;
	v21 =	vld.idx.msk [tilespmem:v10+s9+$0x0], $0xffff  }
0x44: {  	v29 =	vor.u32 v2, v14;
	v24 =	vld.idx.msk [tilespmem:v13+s9+$0x0], $0xffff  }
0x45: {  	v28 =	vimm.f32 $0.0e+00;
	s29 =	simm.s32 $0x4;
	s30 =	simm.s32 $0x7;
	v12 =	vand.u32 $0x3E, v12;
	v14 =	vor.u32 v3, v14;
	v25 =	vld.idx.msk [tilespmem:v11+s9+$0x0], $0xffff  }
0x46: {  	s31 =	simm.s32 $0x5;
	v31 =	vmov s29;
	v32 =	vmov s30;
	v10 =	vor.u32 v0, v12;
	v15 =	vld.idx.msk [tilespmem:v15+s9+$0x0], $0xffff  }
0x47: {  	s17 =	simm.s32 $0x6;
	v34 =	vmov s31;
	v37 =	vand.u32 $0x3C, v31;
	v13 =	vor.u32 v1, v12;
	v26 =	vld.idx.msk [tilespmem:v26+s9+$0x0], $0xffff  }
0x48: {  	v35 =	vmov s17;
	v39 =	vor.u32 v0, v37;
	v19 =	vor.u32 v2, v12;
	v27 =	vld.idx.msk [tilespmem:v27+s9+$0x0], $0xffff  }
0x49: {  	v40 =	vor.u32 v1, v37;
	v42 =	vor.u32 v2, v37;
	v12 =	vor.u32 v3, v12;
	v29 =	vld.idx.msk [tilespmem:v29+s9+$0x0], $0xffff  }
0x4a: {  	v41 =	vor.u32 v3, v18;
	v11 =	vand.u32 $0x3F, v32;
	v44 =	vmul.f32 v16, v17;
	v45 =	vld.idx.msk [tilespmem:v14+s9+$0x0], $0xffff  }
0x4b: {  	v18 =	vor.u32 v3, v37;
	v47 =	vmul.f32 v30, v20;
	v16 =	vor.u32 v1, v11;
	v33 =	vld.idx.msk [tilespmem:v10+s9+$0x0], $0xffff  }
0x4c: {  	v62 =	vadd.f32 v44, v28;
	v10 =	vand.u32 $0x3E, v35;
	v43 =	vmul.f32 v21, v17;
	v36 =	vld.idx.msk [tilespmem:v13+s9+$0x0], $0xffff  }
0x4d: {  	v13 =	vand.u32 $0x3D, v34;
	v24 =	vmul.f32 v24, v17;
	v17 =	vmul.f32 v25, v17;
	v25 =	vld.idx.msk [tilespmem:v19+s9+$0x0], $0xffff  }
0x4e: {  	v19 =	vor.u32 v0, v11;
	v59 =	vld.idx.msk [tilespmem:v12+s9+$0x0], $0xffff;
	v46 =	vmul.f32 v15, v20;
	v21 =	vor.u32 v0, v10  }
0x4f: {  	v14 =	vld.idx.msk [tilespmem:v31+s11+$0x0], $0xffff;
	v12 =	vmul.f32 v26, v23;
	v26 =	vmul.f32 v27, v23;
	v31 =	vadd.f32 v43, v28  }
0x50: {  	v27 =	vld.idx.msk [tilespmem:v41+s9+$0x0], $0xffff;
	v29 =	vmul.f32 v29, v23;
	v24 =	vadd.f32 v24, v28;
	v28 =	vadd.f32 v17, v28  }
0x51: {  	v15 =	vld.idx.msk [tilespmem:v32+s11+$0x0], $0xffff;
	v23 =	vmul.f32 v45, v23;
	v31 =	vadd.f32 v12, v31;
	v26 =	vadd.f32 v26, v62  }
0x52: {  	v17 =	vld.idx.msk [tilespmem:v35+s11+$0x0], $0xffff;
	v30 =	vmul.f32 v33, v22;
	v24 =	vadd.f32 v29, v24;
	v60 =	vmul.f32 v36, v22  }
0x53: {  	v12 =	vld.idx.msk [tilespmem:v34+s11+$0x0], $0xffff;
	v28 =	vadd.f32 v23, v28;
	v63 =	vmul.f32 v25, v22;
	v22 =	vmul.f32 v59, v22  }
0x54: {  	v29 =	vmul.f32 v61, v20;
	v23 =	vld.idx.msk [tilespmem:v40+s9+$0x0], $0xffff;
	v31 =	vadd.f32 v30, v31;
	v33 =	vadd.f32 v60, v26  }
0x55: {  	v25 =	vld.idx.msk [tilespmem:v39+s9+$0x0], $0xffff;
	v30 =	vadd.f32 v63, v24;
	v26 =	vadd.f32 v22, v28;
	v28 =	vmul.f32 v27, v20  }
0x56: {  	s15 =	simm.s32 $0x8;
	v24 =	vld.idx.msk [tilespmem:v42+s9+$0x0], $0xffff;
	v27 =	vor.u32 v1, v10;
	v22 =	vadd.f32 v46, v31;
	v20 =	vadd.f32 v47, v33  }
.LBB2_3:
0x57: {  	p0 =	sne.s32 s15, $0x3C;
	v31 =	vld.idx.msk [tilespmem:v18+s9+$0x0], $0xffff;
	v18 =	vor.u32 v0, v13;
	v29 =	vadd.f32 v29, v30;
	v26 =	vadd.f32 v28, v26  }
0x58: {  	v28 =	vor.u32 v1, v13;
	v32 =	vmovc v15;
	v33 =	vmov v17;
	v30 =	vld.idx.msk [tilespmem:v19+s9+$0x0], $0xffff;
	v19 =	vmov v11  }
0x59: {  	s16 =	sadd.s32 $0x3, s15;
	v15 =	vor.u32 v2, v13;
	v16 =	vld.idx.msk [tilespmem:v16+s9+$0x0], $0xffff  }
0x5a: {  	v17 =	vmov s15;
	s17 =	sadd.s32 $0x1, s15;
	s18 =	sadd.s32 $0x2, s15;
	v35 =	vor.u32 v3, v13;
	v34 =	vmov s16;
	v21 =	vld.idx.msk [tilespmem:v21+s9+$0x0], $0xffff  }
0x5b: {  	v38 =	vor.u32 v2, v10;
	v36 =	vmov s17;
	v37 =	vmov s18;
	v27 =	vld.idx.msk [tilespmem:v27+s9+$0x0], $0xffff  }
0x5c: {  	v41 =	vor.u32 v3, v10;
	v39 =	vand.u32 $0x3C, v17;
	v11 =	vand.u32 $0x3F, v34;
	v40 =	vld.idx.msk [tilespmem:v18+s9+$0x0], $0xffff  }
0x5d: {  	v13 =	vand.u32 $0x3D, v36;
	v10 =	vand.u32 $0x3E, v37;
	v42 =	vor.u32 v2, v19;
	v28 =	vld.idx.msk [tilespmem:v28+s9+$0x0], $0xffff  }
0x5e: {  	v43 =	vor.u32 v0, v39;
	v44 =	vor.u32 v1, v39;
	v45 =	vor.u32 v3, v19;
	v15 =	vld.idx.msk [tilespmem:v15+s9+$0x0], $0xffff  }
0x5f: {  	v46 =	vor.u32 v2, v39;
	v25 =	vmul.f32 v25, v14;
	v23 =	vmul.f32 v23, v14;
	v35 =	vld.idx.msk [tilespmem:v35+s9+$0x0], $0xffff  }
0x60: {  	v24 =	vmul.f32 v24, v14;
	v18 =	vor.u32 v3, v39;
	v31 =	vmul.f32 v31, v14;
	v38 =	vld.idx.msk [tilespmem:v38+s9+$0x0], $0xffff  }
0x61: {  	v19 =	vor.u32 v0, v11;
	v47 =	vmul.f32 v16, v32;
	v39 =	vld.idx.msk [tilespmem:v41+s9+$0x0], $0xffff;
	v41 =	vmul.f32 v30, v32  }
0x62: {  	v16 =	vor.u32 v1, v11;
	v27 =	vmul.f32 v27, v33;
	v30 =	vmul.f32 v21, v33;
	v42 =	vld.idx.msk [tilespmem:v42+s9+$0x0], $0xffff  }
0x63: {  	v21 =	vor.u32 v0, v10;
	v40 =	vmul.f32 v40, v12;
	v28 =	vmul.f32 v28, v12;
	v45 =	vld.idx.msk [tilespmem:v45+s9+$0x0], $0xffff  }
0x64: {  	v22 =	vadd.f32 v25, v22;
	v20 =	vadd.f32 v23, v20;
	v23 =	vmul.f32 v15, v12;
	v14 =	vld.idx.msk [tilespmem:v17+s11+$0x0], $0xffff  }
0x65: {  	v24 =	vadd.f32 v24, v29;
	v25 =	vadd.f32 v31, v26;
	v26 =	vmul.f32 v35, v12;
	v15 =	vld.idx.msk [tilespmem:v34+s11+$0x0], $0xffff  }
.Ltmp0:
0x66: {  	v22 =	vadd.f32 v40, v22;
	v20 =	vadd.f32 v28, v20;
	v28 =	vmul.f32 v38, v33;
	v17 =	vld.idx.msk [tilespmem:v37+s11+$0x0], $0xffff;
	(pc) =	sbr.rel @p0 .LBB2_3-.Ltmp0, $4  }
0x67: {  	v24 =	vadd.f32 v23, v24;
	v26 =	vadd.f32 v26, v25;
	v31 =	vmul.f32 v39, v33;
	v12 =	vld.idx.msk [tilespmem:v36+s11+$0x0], $0xffff  }
0x68: {  	v22 =	vadd.f32 v30, v22;
	v20 =	vadd.f32 v27, v20;
	v29 =	vmul.f32 v42, v32;
	v25 =	vld.idx.msk [tilespmem:v43+s9+$0x0], $0xffff  }
0x69: {  	v30 =	vadd.f32 v28, v24;
	v26 =	vadd.f32 v31, v26;
	v28 =	vmul.f32 v45, v32;
	v23 =	vld.idx.msk [tilespmem:v44+s9+$0x0], $0xffff  }
0x6a: {  	s15 =	sadd.s32 $0x4, s15;
	v27 =	vor.u32 v1, v10;
	v22 =	vadd.f32 v41, v22;
	v20 =	vadd.f32 v47, v20;
	v24 =	vld.idx.msk [tilespmem:v46+s9+$0x0], $0xffff  }
0x6b: {  	_ = 	snop  }
0x6c: {  	v31 =	vor.u32 v0, v13;
	_ =	sdelay $0x2  }
0x6d: {  	v18 =	vld.idx.msk [tilespmem:v18+s9+$0x0], $0xffff  }
0x6e: {  	v32 =	vor.u32 v1, v13;
	v21 =	vld.idx.msk [tilespmem:v21+s9+$0x0], $0xffff  }
0x6f: {  	v33 =	vor.u32 v2, v13;
	v25 =	vmul.f32 v25, v14;
	v31 =	vld.idx.msk [tilespmem:v31+s9+$0x0], $0xffff  }
0x70: {  	v19 =	vld.idx.msk [tilespmem:v19+s9+$0x0], $0xffff;
	v13 =	vor.u32 v3, v13  }
0x71: {  	v34 =	vor.u32 v2, v10;
	v16 =	vld.idx.msk [tilespmem:v16+s9+$0x0], $0xffff;
	v10 =	vor.u32 v3, v10;
	v22 =	vadd.f32 v25, v22  }
0x72: {  	v27 =	vld.idx.msk [tilespmem:v27+s9+$0x0], $0xffff;
	v25 =	vadd.f32 v29, v30;
	v29 =	vor.u32 v2, v11;
	v11 =	vor.u32 v3, v11  }
0x73: {  	v32 =	vld.idx.msk [tilespmem:v32+s9+$0x0], $0xffff  }
0x74: {  	v30 =	vld.idx.msk [tilespmem:v33+s9+$0x0], $0xffff;
	v31 =	vmul.f32 v31, v12  }
0x75: {  	v23 =	vmul.f32 v23, v14;
	v13 =	vld.idx.msk [tilespmem:v13+s9+$0x0], $0xffff  }
0x76: {  	v21 =	vmul.f32 v21, v17;
	v10 =	vld.idx.msk [tilespmem:v10+s9+$0x0], $0xffff;
	v22 =	vadd.f32 v31, v22  }
0x77: {  	v24 =	vmul.f32 v24, v14;
	v19 =	vmul.f32 v19, v15;
	v20 =	vadd.f32 v23, v20;
	v11 =	vld.idx.msk [tilespmem:v11+s9+$0x0], $0xffff  }
0x78: {  	v14 =	vmul.f32 v18, v14;
	v32 =	vmul.f32 v32, v12;
	v31 =	vld.idx.msk [tilespmem:v34+s9+$0x0], $0xffff;
	v21 =	vadd.f32 v21, v22  }
0x79: {  	v16 =	vmul.f32 v16, v15;
	v24 =	vadd.f32 v24, v25;
	v22 =	vadd.f32 v28, v26  }
0x7a: {  	v18 =	vmul.f32 v27, v17;
	v23 =	vld.idx.msk [tilespmem:v29+s9+$0x0], $0xffff;
	v20 =	vadd.f32 v32, v20;
	v19 =	vadd.f32 v19, v21  }
0x7b: {  	v10 =	vmul.f32 v10, v17;
	v21 =	vmul.f32 v30, v12;
	v14 =	vadd.f32 v14, v22  }
0x7c: {  	v12 =	vmul.f32 v13, v12;
	v13 =	vadd.f32 v18, v20;
	v18 =	vmul.f32 v4, v19  }
0x7d: {  	v11 =	vmul.f32 v11, v15;
	v19 =	vmul.f32 v31, v17;
	v20 =	vadd.f32 v21, v24  }
0x7e: {  	v12 =	vadd.f32 v12, v14;
	v13 =	vadd.f32 v16, v13;
	v14 =	vmax.f32 v18, $-1.000000000e+01  }
0x7f: {  	v16 =	vmul.f32 v23, v15;
	v17 =	vadd.f32 v19, v20;
	v14 =	vmin.f32 v14, $1.000000000e+01  }
0x80: {  	v13 =	vxor.u32 $0x80000000, v13;
	v10 =	vadd.f32 v10, v12;
	v14 =	vsub.f32 $0.0e+00, v14  }
0x81: {  	v12 =	vmax.f32 v13, $-1.000000000e+01;
	v13 =	vadd.f32 v16, v17  }
0x82: {  	v12 =	vmin.f32 v12, $1.000000000e+01;
	v10 =	vadd.f32 v11, v10;
	v14 =	vmul.f32 $1.442695020e+00, v14  }
0x83: {  	v11 =	vsub.f32 $0.0e+00, v12  }
0x84: {  	v12 =	vxor.u32 $0x80000000, v13;
	v10 =	vxor.u32 $0x80000000, v10;
	(erf) = vpow2.f32 v14  }
0x85: {  	v11 =	vmul.f32 $1.442695020e+00, v11;
	v12 =	vmax.f32 v12, $-1.000000000e+01;
	v10 =	vmax.f32 v10, $-1.000000000e+01  }
0x86: {  	v12 =	vmin.f32 v12, $1.000000000e+01;
	v10 =	vmin.f32 v10, $1.000000000e+01  }
0x87: {  	(erf) = vpow2.f32 v11;
	v11 =	vsub.f32 $0.0e+00, v12;
	v10 =	vsub.f32 $0.0e+00, v10;
	_ =	sdelay $0x1  }
0x88: {  	v11 =	vmul.f32 $1.442695020e+00, v11;
	v10 =	vmul.f32 $1.442695020e+00, v10;
	_ =	sdelay $0x1  }
0x89: {  	(erf) = vpow2.f32 v11  }
0x8a: {  	(erf) = vpow2.f32 v10  }
0x8b: {  	v10 =	vpop (erf)  }
0x8c: {  	v10 =	vadd.f32 $1.000000000e+00, v10;
	_ =	sdelay $0x1  }
0x8d: {  	v11 =	vpop (erf);
	v12 =	vand.u32 $0x7FFFFF, v10  }
0x8e: {  	v11 =	vadd.f32 $1.000000000e+00, v11;
	v12 =	vor.u32 $0x3F800000, v12  }
0x8f: {  	v13 =	vmul.f32 $2.482598460e-02, v12  }
0x90: {  	v14 =	vand.u32 $0x7FFFFF, v11  }
0x91: {  	v14 =	vor.u32 $0x3F800000, v14;
	v15 =	vpop (erf);
	v13 =	vsub.f32 $2.668627800e-01, v13  }
0x92: {  	v16 =	vmul.f32 $2.482598460e-02, v14;
	v15 =	vadd.f32 $1.000000000e+00, v15;
	v17 =	vpop (erf)  }
0x93: {  	v17 =	vadd.f32 $1.000000000e+00, v17;
	v13 =	vmul.f32 v12, v13  }
0x94: {  	v16 =	vsub.f32 $2.668627800e-01, v16;
	v18 =	vand.u32 $0x7FFFFF, v15  }
0x95: {  	v18 =	vor.u32 $0x3F800000, v18;
	v19 =	vand.u32 $0x7FFFFF, v17;
	v13 =	vadd.f32 $-1.234279870e+00, v13  }
0x96: {  	v16 =	vmul.f32 v14, v16;
	v20 =	vmul.f32 $2.482598460e-02, v18;
	v19 =	vor.u32 $0x3F800000, v19  }
0x97: {  	v21 =	vmul.f32 $2.482598460e-02, v19;
	v13 =	vmul.f32 v12, v13  }
0x98: {  	v16 =	vadd.f32 $-1.234279870e+00, v16;
	v20 =	vsub.f32 $2.668627800e-01, v20  }
0x99: {  	v21 =	vsub.f32 $2.668627800e-01, v21;
	v13 =	vadd.f32 $3.218869920e+00, v13  }
0x9a: {  	v16 =	vmul.f32 v14, v16;
	v20 =	vmul.f32 v18, v20  }
0x9b: {  	v21 =	vmul.f32 v19, v21;
	v13 =	vmul.f32 v12, v13  }
0x9c: {  	v16 =	vadd.f32 $3.218869920e+00, v16;
	v20 =	vadd.f32 $-1.234279870e+00, v20  }
0x9d: {  	v21 =	vadd.f32 $-1.234279870e+00, v21;
	v13 =	vadd.f32 $-5.264155390e+00, v13  }
0x9e: {  	v16 =	vmul.f32 v14, v16;
	v20 =	vmul.f32 v18, v20  }
0x9f: {  	v21 =	vmul.f32 v19, v21;
	v13 =	vmul.f32 v12, v13  }
0xa0: {  	v16 =	vadd.f32 $-5.264155390e+00, v16;
	v20 =	vadd.f32 $3.218869920e+00, v20  }
0xa1: {  	v21 =	vadd.f32 $3.218869920e+00, v21;
	v13 =	vadd.f32 $6.065858840e+00, v13  }
0xa2: {  	v16 =	vmul.f32 v14, v16;
	v20 =	vmul.f32 v18, v20  }
0xa3: {  	v10 =	vshrl.u32 v10, $0x17;
	v12 =	vmul.f32 v12, v13;
	v13 =	vmul.f32 v19, v21  }
0xa4: {  	v10 =	vadd.s32 $0xFFFFFF81, v10;
	v16 =	vadd.f32 $6.065858840e+00, v16;
	v20 =	vadd.f32 $-5.264155390e+00, v20  }
0xa5: {  	v10 =	vcvt.s32.f32 v10;
	v12 =	vadd.f32 $-3.028325080e+00, v12;
	v13 =	vadd.f32 $-5.264155390e+00, v13  }
0xa6: {  	v11 =	vshrl.u32 v11, $0x17;
	v14 =	vmul.f32 v14, v16;
	v16 =	vmul.f32 v18, v20  }
0xa7: {  	v11 =	vadd.s32 $0xFFFFFF81, v11;
	v10 =	vadd.f32 v10, v12;
	v12 =	vmul.f32 v19, v13  }
0xa8: {  	v11 =	vcvt.s32.f32 v11;
	v13 =	vadd.f32 $-3.028325080e+00, v14;
	v14 =	vadd.f32 $6.065858840e+00, v16  }
0xa9: {  	v12 =	vadd.f32 $6.065858840e+00, v12  }
0xaa: {  	v10 =	vmul.f32 $6.931471820e-01, v10;
	v11 =	vadd.f32 v11, v13;
	v13 =	vmul.f32 v18, v14  }
0xab: {  	v14 =	vshrl.u32 v15, $0x17;
	v15 =	vshrl.u32 v17, $0x17;
	v12 =	vmul.f32 v19, v12  }
0xac: {  	v14 =	vadd.s32 $0xFFFFFF81, v14;
	v15 =	vadd.s32 $0xFFFFFF81, v15;
	v13 =	vadd.f32 $-3.028325080e+00, v13  }
0xad: {  	v14 =	vcvt.s32.f32 v14;
	v15 =	vcvt.s32.f32 v15;
	v12 =	vadd.f32 $-3.028325080e+00, v12  }
0xae: {  	v10 =	vadd.f32 $0.0e+00, v10;
	v11 =	vmul.f32 $6.931471820e-01, v11  }
0xaf: {  	v13 =	vadd.f32 v14, v13;
	v12 =	vadd.f32 v15, v12  }
0xb0: {  	v10 =	vadd.f32 v10, v11  }
0xb1: {  	v11 =	vmul.f32 $6.931471820e-01, v13;
	v13 =	vmul.f32 $6.931471820e-01, v12;
	v12 =	vimm.f32 $0.0e+00  }
0xb2: {  	v14 =	vsel vm0, $0x3F800000, v12  }
0xb3: {  	v10 =	vadd.f32 v10, v11;
	v11 =	vmul.f32 v14, v13;
	_ =	sdelay $0x1  }
0xb4: {  	v10 =	vadd.f32 v11, v10;
	_ =	sdelay $0x1  }
0xb5: {  	(xrf2) =	vadd.scan.msk.f32 $0xffff, v10;
	_ =	sdelay $0x2  }
0xb6: {  	s15 =	sshll.u32 s14, $0x1  }
0xb7: {  	v10 =	vmov s15  }
0xb8: {  	v10 =	vbroadcast v10, $0x0;
	_ =	sdelay $0x4  }
0xb9: {  	v11, _, _ =	vpop (xrf2)  }
0xba: {  	[tilespmem:v10+s12+$0x0] =	vst.idx.msk vm1, v11  }
0xbb: {  	v10 =	vld [tilespmem:$0x9000];
	_ =	sdelay $0x4  }
0xbc: {  	v10 =	vsub.f32 $0.0e+00, v10;
	_ =	sdelay $0x1  }
0xbd: {  	v10 =	vmul.f32 $1.442695020e+00, v10;
	_ =	sdelay $0x1  }
0xbe: {  	(erf) = vpow2.f32 v10;
	_ =	sdelay $0x3  }
0xbf: {  	v10 =	vld [tilespmem:$0x9010];
	_ =	sdelay $0x4  }
0xc0: {  	v10 =	vsub.f32 $0.0e+00, v10;
	v11 =	vpop (erf)  }
0xc1: {  	v11 =	vadd.f32 $1.000000000e+00, v11  }
0xc2: {  	v10 =	vmul.f32 $1.442695020e+00, v10  }
0xc3: {  	(erf) = vrcp.f32 v11  }
0xc4: {  	(erf) = vpow2.f32 v10;
	_ =	sdelay $0x3  }
0xc5: {  	v10 =	vld [tilespmem:$0x9020];
	_ =	sdelay $0x3  }
0xc6: {  	v11 =	vpop (erf)  }
0xc7: {  	v10 =	vsub.f32 $0.0e+00, v10;
	v13 =	vpop (erf)  }
0xc8: {  	v13 =	vadd.f32 $1.000000000e+00, v13  }
0xc9: {  	v10 =	vmul.f32 $1.442695020e+00, v10  }
0xca: {  	(erf) = vrcp.f32 v13  }
0xcb: {  	(erf) = vpow2.f32 v10;
	_ =	sdelay $0x3  }
0xcc: {  	v10 =	vld [tilespmem:$0x9030];
	_ =	sdelay $0x3  }
0xcd: {  	v13 =	vpop (erf)  }
0xce: {  	v10 =	vsub.f32 $0.0e+00, v10;
	v14 =	vpop (erf)  }
0xcf: {  	v14 =	vadd.f32 $1.000000000e+00, v14  }
0xd0: {  	v10 =	vmul.f32 $1.442695020e+00, v10  }
0xd1: {  	(erf) = vrcp.f32 v14  }
0xd2: {  	(erf) = vpow2.f32 v10;
	_ =	sdelay $0x7  }
0xd3: {  	v10 =	vpop (erf)  }
0xd4: {  	v14 =	vpop (erf)  }
0xd5: {  	v14 =	vadd.f32 $1.000000000e+00, v14;
	_ =	sdelay $0x1  }
0xd6: {  	(erf) = vrcp.f32 v14;
	_ =	sdelay $0x4  }
0xd7: {  	s16 =	simm.s32 $0x0  }
0xd8: {  	s17 =	simm.s32 $0x3;
	v14 =	vmov s16  }
0xd9: {  	s26 =	simm.s32 $0x2;
	[tilespmem:$0xA000] =	vst v11;
	v11 =	vmov s17  }
0xda: {  	s28 =	simm.s32 $0x1;
	[tilespmem:$0xA010] =	vst v13;
	v13 =	vmov s26  }
0xdb: {  	v15 =	vmov s28;
	[tilespmem:$0xA020] =	vst v10;
	v16 =	vand.u32 $0x3C, v14;
	v10 =	vpop (erf)  }
0xdc: {  	v17 =	vor.u32 v7, v16;
	[tilespmem:$0xA030] =	vst v10  }
0xdd: {  	v19 =	vand.u32 $0x3F, v11;
	v18 =	vor.u32 v8, v16;
	v14 =	vld.idx.msk [tilespmem:v14+s11+$0x0], $0xffff  }
0xde: {  	v21 =	vor.u32 v7, v19;
	v20 =	vld.idx.msk [tilespmem:v11+s11+$0x0], $0xffff  }
0xdf: {  	v38 =	vor.u32 v8, v19;
	v22 =	vld.idx.msk [tilespmem:v13+s11+$0x0], $0xffff  }
0xe0: {  	v10 =	vor.u32 v5, v16;
	v23 =	vld.idx.msk [tilespmem:v15+s11+$0x0], $0xffff  }
0xe1: {  	v11 =	vor.u32 v6, v16;
	v17 =	vld.idx.msk [tilespmem:v17+s9+$0x0], $0xffff  }
0xe2: {  	v16 =	vor.u32 v5, v19;
	v13 =	vand.u32 $0x3E, v13;
	v25 =	vld.idx.msk [tilespmem:v18+s9+$0x0], $0xffff  }
0xe3: {  	v15 =	vand.u32 $0x3D, v15;
	v21 =	vld.idx.msk [tilespmem:v21+s9+$0x0], $0xffff;
	v18 =	vor.u32 v7, v13  }
0xe4: {  	v38 =	vld.idx.msk [tilespmem:v38+s9+$0x0], $0xffff;
	v27 =	vor.u32 v5, v15  }
0xe5: {  	v28 =	vor.u32 v7, v15;
	v24 =	vld.idx.msk [tilespmem:v10+s9+$0x0], $0xffff  }
0xe6: {  	s31 =	simm.s32 $0x5;
	s18 =	simm.s32 $0x6;
	v29 =	vor.u32 v8, v15;
	v26 =	vld.idx.msk [tilespmem:v11+s9+$0x0], $0xffff  }
0xe7: {  	s29 =	simm.s32 $0x4;
	s30 =	simm.s32 $0x7;
	v61 =	vmov s31;
	v62 =	vmov s18;
	v15 =	vor.u32 v6, v15;
	v16 =	vld.idx.msk [tilespmem:v16+s9+$0x0], $0xffff  }
0xe8: {  	v30 =	vmov s29;
	v31 =	vmov s30;
	v36 =	vor.u32 v8, v13;
	v35 =	vld.idx.msk [tilespmem:v18+s9+$0x0], $0xffff  }
0xe9: {  	v41 =	vor.u32 v6, v19;
	v37 =	vor.u32 v6, v13;
	v10 =	vor.u32 v5, v13;
	v27 =	vld.idx.msk [tilespmem:v27+s9+$0x0], $0xffff  }
0xea: {  	v13 =	vand.u32 $0x3D, v61;
	v11 =	vand.u32 $0x3F, v31;
	v17 =	vmul.f32 v17, v14;
	v28 =	vld.idx.msk [tilespmem:v28+s9+$0x0], $0xffff  }
0xeb: {  	v25 =	vmul.f32 v25, v14;
	v45 =	vmul.f32 v21, v20;
	v18 =	vand.u32 $0x3C, v30;
	v29 =	vld.idx.msk [tilespmem:v29+s9+$0x0], $0xffff  }
0xec: {  	v43 =	vld.idx.msk [tilespmem:v15+s9+$0x0], $0xffff;
	v19 =	vor.u32 v5, v11;
	v39 =	vor.u32 v5, v18;
	v40 =	vor.u32 v7, v18  }
0xed: {  	v36 =	vld.idx.msk [tilespmem:v36+s9+$0x0], $0xffff;
	v42 =	vor.u32 v8, v18;
	v18 =	vor.u32 v6, v18;
	v25 =	vadd.f32 v25, v12  }
0xee: {  	v60 =	vld.idx.msk [tilespmem:v10+s9+$0x0], $0xffff;
	v10 =	vand.u32 $0x3E, v62;
	v24 =	vmul.f32 v24, v14;
	v26 =	vmul.f32 v26, v14  }
0xef: {  	v37 =	vld.idx.msk [tilespmem:v37+s9+$0x0], $0xffff;
	v44 =	vmul.f32 v16, v20;
	v16 =	vor.u32 v7, v11;
	v21 =	vor.u32 v5, v10  }
0xf0: {  	v41 =	vld.idx.msk [tilespmem:v41+s9+$0x0], $0xffff;
	v35 =	vmul.f32 v35, v22;
	v27 =	vmul.f32 v27, v23;
	v24 =	vadd.f32 v24, v12  }
0xf1: {  	v14 =	vld.idx.msk [tilespmem:v30+s11+$0x0], $0xffff;
	v30 =	vadd.f32 v17, v12;
	v28 =	vmul.f32 v28, v23;
	v29 =	vmul.f32 v29, v23  }
0xf2: {  	v15 =	vld.idx.msk [tilespmem:v31+s11+$0x0], $0xffff;
	v23 =	vmul.f32 v43, v23;
	v26 =	vadd.f32 v26, v12;
	v24 =	vadd.f32 v27, v24  }
0xf3: {  	v17 =	vld.idx.msk [tilespmem:v62+s11+$0x0], $0xffff;
	v27 =	vadd.f32 v28, v30;
	v28 =	vmul.f32 v36, v22;
	v32 =	vmul.f32 v60, v22  }
0xf4: {  	v12 =	vld.idx.msk [tilespmem:v61+s11+$0x0], $0xffff;
	v30 =	vadd.f32 v29, v25;
	v26 =	vadd.f32 v23, v26;
	v22 =	vmul.f32 v37, v22  }
0xf5: {  	v25 =	vld.idx.msk [tilespmem:v39+s9+$0x0], $0xffff;
	v29 =	vmul.f32 v38, v20;
	v63 =	vadd.f32 v35, v27;
	v31 =	vadd.f32 v32, v24  }
0xf6: {  	v23 =	vld.idx.msk [tilespmem:v40+s9+$0x0], $0xffff;
	v30 =	vadd.f32 v28, v30;
	v28 =	vmul.f32 v41, v20;
	v26 =	vadd.f32 v22, v26  }
0xf7: {  	s16 =	simm.s32 $0x8;
	v27 =	vor.u32 v7, v10;
	v24 =	vld.idx.msk [tilespmem:v42+s9+$0x0], $0xffff;
	v20 =	vadd.f32 v45, v63;
	v22 =	vadd.f32 v44, v31  }
.LBB2_5:
0xf8: {  	p0 =	sne.s32 s16, $0x3C;
	v31 =	vld.idx.msk [tilespmem:v18+s9+$0x0], $0xffff;
	v18 =	vor.u32 v5, v13;
	v29 =	vadd.f32 v29, v30;
	v26 =	vadd.f32 v28, v26  }
0xf9: {  	v28 =	vor.u32 v7, v13;
	v32 =	vmovc v15;
	v33 =	vmov v17;
	v30 =	vld.idx.msk [tilespmem:v19+s9+$0x0], $0xffff;
	v19 =	vmov v11  }
0xfa: {  	s17 =	sadd.s32 $0x3, s16;
	v15 =	vor.u32 v8, v13;
	v16 =	vld.idx.msk [tilespmem:v16+s9+$0x0], $0xffff  }
0xfb: {  	v17 =	vmov s16;
	s18 =	sadd.s32 $0x1, s16;
	s19 =	sadd.s32 $0x2, s16;
	v35 =	vor.u32 v6, v13;
	v34 =	vmov s17;
	v21 =	vld.idx.msk [tilespmem:v21+s9+$0x0], $0xffff  }
0xfc: {  	v38 =	vor.u32 v8, v10;
	v36 =	vmov s18;
	v37 =	vmov s19;
	v27 =	vld.idx.msk [tilespmem:v27+s9+$0x0], $0xffff  }
0xfd: {  	v41 =	vor.u32 v6, v10;
	v39 =	vand.u32 $0x3C, v17;
	v11 =	vand.u32 $0x3F, v34;
	v40 =	vld.idx.msk [tilespmem:v18+s9+$0x0], $0xffff  }
0xfe: {  	v13 =	vand.u32 $0x3D, v36;
	v10 =	vand.u32 $0x3E, v37;
	v42 =	vor.u32 v8, v19;
	v28 =	vld.idx.msk [tilespmem:v28+s9+$0x0], $0xffff  }
0xff: {  	v43 =	vor.u32 v5, v39;
	v44 =	vor.u32 v7, v39;
	v45 =	vor.u32 v6, v19;
	v15 =	vld.idx.msk [tilespmem:v15+s9+$0x0], $0xffff  }
0x100: {  	v46 =	vor.u32 v8, v39;
	v25 =	vmul.f32 v25, v14;
	v23 =	vmul.f32 v23, v14;
	v35 =	vld.idx.msk [tilespmem:v35+s9+$0x0], $0xffff  }
0x101: {  	v24 =	vmul.f32 v24, v14;
	v18 =	vor.u32 v6, v39;
	v31 =	vmul.f32 v31, v14;
	v38 =	vld.idx.msk [tilespmem:v38+s9+$0x0], $0xffff  }
0x102: {  	v19 =	vor.u32 v5, v11;
	v47 =	vmul.f32 v16, v32;
	v39 =	vld.idx.msk [tilespmem:v41+s9+$0x0], $0xffff;
	v41 =	vmul.f32 v30, v32  }
0x103: {  	v16 =	vor.u32 v7, v11;
	v27 =	vmul.f32 v27, v33;
	v30 =	vmul.f32 v21, v33;
	v42 =	vld.idx.msk [tilespmem:v42+s9+$0x0], $0xffff  }
0x104: {  	v21 =	vor.u32 v5, v10;
	v40 =	vmul.f32 v40, v12;
	v28 =	vmul.f32 v28, v12;
	v45 =	vld.idx.msk [tilespmem:v45+s9+$0x0], $0xffff  }
0x105: {  	v22 =	vadd.f32 v25, v22;
	v20 =	vadd.f32 v23, v20;
	v23 =	vmul.f32 v15, v12;
	v14 =	vld.idx.msk [tilespmem:v17+s11+$0x0], $0xffff  }
0x106: {  	v24 =	vadd.f32 v24, v29;
	v25 =	vadd.f32 v31, v26;
	v26 =	vmul.f32 v35, v12;
	v15 =	vld.idx.msk [tilespmem:v34+s11+$0x0], $0xffff  }
.Ltmp1:
0x107: {  	v22 =	vadd.f32 v40, v22;
	v20 =	vadd.f32 v28, v20;
	v28 =	vmul.f32 v38, v33;
	v17 =	vld.idx.msk [tilespmem:v37+s11+$0x0], $0xffff;
	(pc) =	sbr.rel @p0 .LBB2_5-.Ltmp1, $4  }
0x108: {  	v24 =	vadd.f32 v23, v24;
	v26 =	vadd.f32 v26, v25;
	v31 =	vmul.f32 v39, v33;
	v12 =	vld.idx.msk [tilespmem:v36+s11+$0x0], $0xffff  }
0x109: {  	v22 =	vadd.f32 v30, v22;
	v20 =	vadd.f32 v27, v20;
	v29 =	vmul.f32 v42, v32;
	v25 =	vld.idx.msk [tilespmem:v43+s9+$0x0], $0xffff  }
0x10a: {  	v30 =	vadd.f32 v28, v24;
	v26 =	vadd.f32 v31, v26;
	v28 =	vmul.f32 v45, v32;
	v23 =	vld.idx.msk [tilespmem:v44+s9+$0x0], $0xffff  }
0x10b: {  	s16 =	sadd.s32 $0x4, s16;
	v27 =	vor.u32 v7, v10;
	v22 =	vadd.f32 v41, v22;
	v20 =	vadd.f32 v47, v20;
	v24 =	vld.idx.msk [tilespmem:v46+s9+$0x0], $0xffff  }
0x10c: {  	_ =	sdelay $0x1  }
0x10d: {  	v31 =	vor.u32 v5, v13;
	_ =	sdelay $0x1  }
0x10e: {  	v32 =	vor.u32 v7, v13;
	v18 =	vld.idx.msk [tilespmem:v18+s9+$0x0], $0xffff  }
0x10f: {  	v21 =	vld.idx.msk [tilespmem:v21+s9+$0x0], $0xffff  }
0x110: {  	v33 =	vor.u32 v8, v13;
	v19 =	vld.idx.msk [tilespmem:v19+s9+$0x0], $0xffff  }
0x111: {  	v57 =	vor.u32 v6, v13;
	v31 =	vld.idx.msk [tilespmem:v31+s9+$0x0], $0xffff  }
0x112: {  	v34 =	vor.u32 v8, v10;
	v16 =	vld.idx.msk [tilespmem:v16+s9+$0x0], $0xffff  }
0x113: {  	v10 =	vor.u32 v6, v10;
	v32 =	vld.idx.msk [tilespmem:v32+s9+$0x0], $0xffff  }
0x114: {  	v27 =	vld.idx.msk [tilespmem:v27+s9+$0x0], $0xffff;
	v59 =	vor.u32 v8, v11;
	v25 =	vmul.f32 v25, v14  }
0x115: {  	v11 =	vor.u32 v6, v11;
	v60 =	vld.idx.msk [tilespmem:v33+s9+$0x0], $0xffff  }
0x116: {  	v23 =	vmul.f32 v23, v14;
	v22 =	vadd.f32 v25, v22;
	v13 =	vld.idx.msk [tilespmem:v57+s9+$0x0], $0xffff;
	v58 =	vmul.f32 v31, v12  }
0x117: {  	v29 =	vadd.f32 v29, v30;
	v24 =	vmul.f32 v24, v14;
	v21 =	vmul.f32 v21, v17;
	v61 =	vld.idx.msk [tilespmem:v34+s9+$0x0], $0xffff  }
0x118: {  	v20 =	vadd.f32 v23, v20;
	v10 =	vld.idx.msk [tilespmem:v10+s9+$0x0], $0xffff;
	v32 =	vmul.f32 v32, v12;
	v22 =	vadd.f32 v58, v22  }
0x119: {  	v62 =	vadd.f32 v28, v26;
	v19 =	vmul.f32 v19, v15;
	v63 =	vmul.f32 v18, v14;
	v33 =	vld.idx.msk [tilespmem:v59+s9+$0x0], $0xffff  }
0x11a: {  	v28 =	vmul.f32 v27, v17;
	v11 =	vld.idx.msk [tilespmem:v11+s9+$0x0], $0xffff;
	v20 =	vadd.f32 v32, v20;
	v21 =	vadd.f32 v21, v22  }
0x11b: {  	v16 =	vmul.f32 v16, v15;
	v24 =	vadd.f32 v24, v29;
	v34 =	vmul.f32 v60, v12  }
0x11c: {  	v35 =	vmul.f32 v13, v12;
	v36 =	vadd.f32 v28, v20;
	v19 =	vadd.f32 v19, v21  }
0x11d: {  	v14 =	vadd.f32 v63, v62;
	v38 =	vmul.f32 v61, v17;
	v10 =	vmul.f32 v10, v17  }
0x11e: {  	v39 =	vadd.f32 v34, v24;
	v13 =	vadd.f32 v16, v36;
	v37 =	vmul.f32 v4, v19  }
0x11f: {  	v41 =	vmul.f32 v33, v15;
	v11 =	vmul.f32 v11, v15;
	v12 =	vadd.f32 v35, v14  }
0x120: {  	v42 =	vadd.f32 v38, v39;
	v13 =	vxor.u32 $0x80000000, v13;
	v40 =	vmax.f32 v37, $-1.000000000e+01  }
0x121: {  	v10 =	vadd.f32 v10, v12;
	v43 =	vmax.f32 v13, $-1.000000000e+01;
	v14 =	vmin.f32 v40, $1.000000000e+01  }
0x122: {  	v44 =	vadd.f32 v41, v42;
	v12 =	vmin.f32 v43, $1.000000000e+01;
	v14 =	vsub.f32 $0.0e+00, v14  }
0x123: {  	v10 =	vadd.f32 v11, v10;
	v11 =	vsub.f32 $0.0e+00, v12  }
0x124: {  	v45 =	vxor.u32 $0x80000000, v44;
	v14 =	vmul.f32 $1.442695020e+00, v14  }
0x125: {  	v10 =	vxor.u32 $0x80000000, v10;
	v12 =	vmax.f32 v45, $-1.000000000e+01;
	v11 =	vmul.f32 $1.442695020e+00, v11  }
0x126: {  	v10 =	vmax.f32 v10, $-1.000000000e+01;
	v12 =	vmin.f32 v12, $1.000000000e+01;
	(erf) = vpow2.f32 v14  }
0x127: {  	v10 =	vmin.f32 v10, $1.000000000e+01;
	(erf) = vpow2.f32 v11;
	v11 =	vsub.f32 $0.0e+00, v12  }
0x128: {  	v10 =	vsub.f32 $0.0e+00, v10  }
0x129: {  	v11 =	vmul.f32 $1.442695020e+00, v11  }
0x12a: {  	v10 =	vmul.f32 $1.442695020e+00, v10  }
0x12b: {  	(erf) = vpow2.f32 v11  }
0x12c: {  	(erf) = vpow2.f32 v10;
	_ =	sdelay $0x2  }
0x12d: {  	v10 =	vpop (erf)  }
0x12e: {  	v10 =	vadd.f32 $1.000000000e+00, v10;
	_ =	sdelay $0x1  }
0x12f: {  	v11 =	vpop (erf);
	v46 =	vand.u32 $0x7FFFFF, v10  }
0x130: {  	v11 =	vadd.f32 $1.000000000e+00, v11;
	v12 =	vor.u32 $0x3F800000, v46  }
0x131: {  	v47 =	vmul.f32 $2.482598460e-02, v12;
	v49 =	vpop (erf)  }
0x132: {  	v48 =	vand.u32 $0x7FFFFF, v11;
	v15 =	vadd.f32 $1.000000000e+00, v49;
	v51 =	vpop (erf)  }
0x133: {  	v14 =	vor.u32 $0x3F800000, v48;
	v13 =	vsub.f32 $2.668627800e-01, v47;
	v17 =	vadd.f32 $1.000000000e+00, v51  }
0x134: {  	v50 =	vmul.f32 $2.482598460e-02, v14;
	v52 =	vand.u32 $0x7FFFFF, v15  }
0x135: {  	v13 =	vmul.f32 v12, v13;
	v18 =	vor.u32 $0x3F800000, v52;
	v53 =	vand.u32 $0x7FFFFF, v17  }
0x136: {  	v16 =	vsub.f32 $2.668627800e-01, v50;
	v54 =	vmul.f32 $2.482598460e-02, v18;
	v19 =	vor.u32 $0x3F800000, v53  }
0x137: {  	v13 =	vadd.f32 $-1.234279870e+00, v13;
	v55 =	vmul.f32 $2.482598460e-02, v19  }
0x138: {  	v16 =	vmul.f32 v14, v16;
	v20 =	vsub.f32 $2.668627800e-01, v54  }
0x139: {  	v13 =	vmul.f32 v12, v13;
	v21 =	vsub.f32 $2.668627800e-01, v55  }
0x13a: {  	v16 =	vadd.f32 $-1.234279870e+00, v16;
	v20 =	vmul.f32 v18, v20  }
0x13b: {  	v13 =	vadd.f32 $3.218869920e+00, v13;
	v21 =	vmul.f32 v19, v21  }
0x13c: {  	v16 =	vmul.f32 v14, v16;
	v20 =	vadd.f32 $-1.234279870e+00, v20  }
0x13d: {  	v13 =	vmul.f32 v12, v13;
	v21 =	vadd.f32 $-1.234279870e+00, v21  }
0x13e: {  	v16 =	vadd.f32 $3.218869920e+00, v16;
	v20 =	vmul.f32 v18, v20  }
0x13f: {  	v13 =	vadd.f32 $-5.264155390e+00, v13;
	v21 =	vmul.f32 v19, v21  }
0x140: {  	v16 =	vmul.f32 v14, v16;
	v20 =	vadd.f32 $3.218869920e+00, v20  }
0x141: {  	v13 =	vmul.f32 v12, v13;
	v21 =	vadd.f32 $3.218869920e+00, v21  }
0x142: {  	v10 =	vshrl.u32 v10, $0x17;
	v16 =	vadd.f32 $-5.264155390e+00, v16;
	v20 =	vmul.f32 v18, v20  }
0x143: {  	v10 =	vadd.s32 $0xFFFFFF81, v10;
	v13 =	vadd.f32 $6.065858840e+00, v13;
	v56 =	vmul.f32 v19, v21  }
0x144: {  	v11 =	vshrl.u32 v11, $0x17;
	v16 =	vmul.f32 v14, v16;
	v20 =	vadd.f32 $-5.264155390e+00, v20  }
0x145: {  	v10 =	vcvt.s32.f32 v10;
	v12 =	vmul.f32 v12, v13;
	v13 =	vadd.f32 $-5.264155390e+00, v56  }
0x146: {  	v11 =	vadd.s32 $0xFFFFFF81, v11;
	v16 =	vadd.f32 $6.065858840e+00, v16;
	v57 =	vmul.f32 v18, v20  }
0x147: {  	v62 =	vshrl.u32 v15, $0x17;
	v12 =	vadd.f32 $-3.028325080e+00, v12;
	v58 =	vmul.f32 v19, v13  }
0x148: {  	v63 =	vshrl.u32 v17, $0x17;
	v14 =	vmul.f32 v14, v16;
	v60 =	vadd.f32 $6.065858840e+00, v57  }
0x149: {  	v15 =	vadd.s32 $0xFFFFFF81, v63;
	v10 =	vadd.f32 v10, v12;
	v12 =	vadd.f32 $6.065858840e+00, v58  }
0x14a: {  	v11 =	vcvt.s32.f32 v11;
	v15 =	vcvt.s32.f32 v15;
	v59 =	vadd.f32 $-3.028325080e+00, v14  }
0x14b: {  	v61 =	vmul.f32 v18, v60;
	v12 =	vmul.f32 v19, v12  }
0x14c: {  	v14 =	vadd.s32 $0xFFFFFF81, v62;
	v11 =	vadd.f32 v11, v59;
	v10 =	vmul.f32 $6.931471820e-01, v10  }
0x14d: {  	v14 =	vcvt.s32.f32 v14;
	v13 =	vadd.f32 $-3.028325080e+00, v61;
	v12 =	vadd.f32 $-3.028325080e+00, v12  }
0x14e: {  	v10 =	vadd.f32 $0.0e+00, v10  }
0x14f: {  	v11 =	vmul.f32 $6.931471820e-01, v11;
	v13 =	vadd.f32 v14, v13;
	v12 =	vadd.f32 v15, v12;
	_ =	sdelay $0x1  }
0x150: {  	v10 =	vadd.f32 v10, v11;
	v11 =	vmul.f32 $6.931471820e-01, v13;
	v12 =	vmul.f32 $6.931471820e-01, v12;
	_ =	sdelay $0x1  }
0x151: {  	v10 =	vadd.f32 v10, v11;
	v11 =	vmul.f32 v9, v12;
	_ =	sdelay $0x1  }
0x152: {  	v10 =	vadd.f32 v11, v10;
	_ =	sdelay $0x1  }
0x153: {  	(xrf2) =	vadd.scan.msk.f32 $0xffff, v10;
	_ =	sdelay $0x4  }
0x154: {  	s15 =	sor.u32 $0x1, s15;
	s14 =	sadd.s32 $0x1, s14  }
0x155: {  	p0 =	sne.s32 s14, $0x100;
	v10 =	vmov s15  }
.Ltmp2:
0x156: {  	_ = 	snop;
	(pc) =	sbr.rel @p0 .LBB2_2-.Ltmp2, $3  }
0x157: {  	_ =	sdelay $0x1  }
0x158: {  	v11, _, _ =	vpop (xrf2)  }
0x159: {  	[tilespmem:v10+s12+$0x0] =	vst.idx.msk vm1, v11  }
0x15a: {  	s13 =	sadd.s32 $0x1, s13  }
0x15b: {  	p0 =	sne.s32 s13, s6  }
.Ltmp3:
0x15c: {  	_ = 	snop;
	(pc) =	sbr.rel @p0 .LBB2_1-.Ltmp3, $4  }
0x15d: {  	[hbm4b:s5+s2] =	stream.linear.scatter [tilespmem:s12], [sflag:$0x2], $0x200, $0x38;
	[tilespmem:$0xA240] =	vst v63  }
0x15e: {  	_ =	swait.ge [sflag:s7], $0x200  }
0x15f: {  	[sflag:s7] =	ssyncset.done $0x0  }
0x160: {  	[sflag:s7] =	ssyncadd.s32 $0xFFFFFE00  }
0x161: {  	_ =	sfence.sel $0x180000  }
0x162: {  	[bflag:$0x0] =	sbarrier.arrive $0xFFFF  }
0x163: {  	p0 =	sne.s32 s1, $0x0;
	_ =	strace $0x90000047  }
0x164: {  	s0 =	sadd.s32 @!p0 $0x100000, s0;
	[bflag:$0x2] =	sbarrier.arrive $0xFFFF  }
0x165: {  	[sflag:s0] =	ssyncadd.tile.s32 @!p0 $0x1;
	_ =	shalt  }
.Lfunc_end2:
_tile_overlayer_lowered:
.L_overlay_start_2:
0x166: {  	(tag) =	ssettag $0x2  }
0x167: {  	s0 =	rddreg [dreg:$0x0];
	s2 =	stileid.u32  }
0x168: {  	s1 =	rddreg [dreg:$0x1];
	p0 =	sne.s32 s2, $0x0  }
0x169: {  	s3 =	rddreg [dreg:$0x2];
	[bflag:$0x3] =	sbarrier.arrive $0xFFFF;
	s2 =	simm.s32 @!p0 $0x1C02  }
0x16a: {  	[timem:s3], [sflag:s2] =	dma.local @!p0 [hbm:s0], s1  }
0x16b: {  	s0 =	simm.s32 @!p0 $0x2  }
0x16c: {  	_ =	swait.ge @!p0 [sflag:s0], s1  }
0x16d: {  	s1 =	ssub.s32 @!p0 $0x0, s1;
	[sflag:s0] =	ssyncset.done @!p0 $0x0  }
0x16e: {  	[sflag:s0] =	ssyncadd.s32 @!p0 s1  }
0x16f: {  	[bflag:$0x3] =	sbarrier.arrive $0xFFFF  }
0x170: {  	_ =	shalt  }

</sc_bundles>
